<compile_context>
chip_gen: v7x
topology: tpu7x:2x2x1
jax: 0.10.2.dev20260603
libtpu: 0.0.44.dev20260713+nightly
codegen_flags: <defaults>
</compile_context>

<pallas_src>
import functools

import jax
import jax.numpy as jnp
from jax import lax
from jax.experimental import pallas as pl
from jax.experimental.pallas import tpu as pltpu
from jax.experimental.pallas import tpu_sc as plsc

_NBINS = 29
_NC, _NS, _L = 2, 16, 16
_NW = _NC * _NS
_LSTR = 33
_RSTR = 545
_QUAD = 4


@functools.partial(jax.jit, static_argnums=(3, 4))
def _hist_call(sim2, dtok, qtok, c_per_b, d):
    rows = sim2.shape[0]
    rpw = rows // _NW
    chunks = d // _L
    hsize = rpw * _RSTR

    mesh = plsc.VectorSubcoreMesh(core_axis_name="c", subcore_axis_name="s")

    @functools.partial(
        pl.kernel,
        mesh=mesh,
        compiler_params=pltpu.CompilerParams(needs_layout_passes=False),
        out_type=jax.ShapeDtypeStruct((rows, 32), jnp.float32),
        scratch_types=[
            pltpu.VMEM((rpw, d), jnp.float32),
            pltpu.VMEM((d,), jnp.int32),
            pltpu.VMEM((_L,), jnp.int32),
            pltpu.VMEM((d,), jnp.float32),
            pltpu.VMEM((_L,), jnp.float32),
            pltpu.VMEM((hsize,), jnp.float32),
            pltpu.VMEM((rpw, 32), jnp.float32),
            pltpu.SemaphoreType.DMA,
        ],
    )
    def body(sim_hbm, dtok_hbm, qtok_hbm, out_hbm, sim_v, dtok_v, qtok_v,
             wd_v, mq_v, hist_v, out_v, sem0):
        wid = lax.axis_index("s") * _NC + lax.axis_index("c")
        base = wid * rpw
        b = base // c_per_b

        cp0 = pltpu.async_copy(sim_hbm.at[pl.ds(base, rpw)], sim_v, sem0)
        pltpu.sync_copy(dtok_hbm.at[b], dtok_v)
        pltpu.sync_copy(qtok_hbm.at[b], qtok_v)

        zero = jnp.zeros((_L,), jnp.float32)
        one = jnp.ones((_L,), jnp.float32)

        @plsc.parallel_loop(0, hsize // _L, unroll=8)
        def _zbody(i):
            hist_v[pl.ds(i * _L, _L)] = zero

        @plsc.parallel_loop(0, chunks, unroll=4)
        def _wbody(i):
            t = dtok_v[pl.ds(i * _L, _L)]
            wd_v[pl.ds(i * _L, _L)] = jnp.where(t != jnp.int32(-1), one, zero)

        qt = qtok_v[pl.ds(0, _L)]
        mq_v[pl.ds(0, _L)] = jnp.where(qt != jnp.int32(-1), one, zero)

        lane = lax.iota(jnp.int32, _L) * _LSTR

        def quad_body(cq, carry):
            cb = cq * (_QUAD * _L)
            ws = [wd_v[pl.ds(cb + j * _L, _L)] for j in range(_QUAD)]

            @plsc.parallel_loop(0, rpw, unroll=8)
            def _rbody(r):
                lane_r = lane + r * _RSTR
                for j in range(_QUAD):
                    s = sim_v[r, pl.ds(cb + j * _L, _L)]
                    bins = ((s + 1.00001) * 14.0).astype(jnp.int32)
                    plsc.addupdate_scatter(hist_v, [bins + lane_r], ws[j])

            return carry

        cp0.wait()
        lax.fori_loop(0, chunks // _QUAD, quad_body, 0)

        def red_body(r, carry):
            @plsc.parallel_loop(
                0, _L, unroll=4,
                carry=(jnp.zeros((_L,), jnp.float32),
                       jnp.zeros((_L,), jnp.float32)))
            def _accs(ln, accs):
                a0, a1 = accs
                o = r * _RSTR + ln * _LSTR
                t0 = hist_v[pl.ds(o, _L)]
                t1 = hist_v[pl.ds(o + _L, _L)]
                hist_v[pl.ds(o, _L)] = zero
                hist_v[pl.ds(o + _L, _L)] = zero
                return (a0 + t0, a1 + t1)

            acc0, acc1 = _accs
            mq = plsc.load_gather(mq_v, [jnp.full((_L,), r % 16, jnp.int32)])
            out_v[r, pl.ds(0, _L)] = acc0 * mq
            out_v[r, pl.ds(_L, _L)] = acc1 * mq
            return carry

        lax.fori_loop(0, rpw, red_body, 0)

        pltpu.sync_copy(out_v, out_hbm.at[pl.ds(base, rpw)])

    return body(sim2, dtok, qtok)


def kernel(simmat, dlens, dtoks, qtoks):
    del dlens
    B, C, Q, D = simmat.shape
    sim2 = simmat.reshape(B * C * Q, D)
    dtok = dtoks.astype(jnp.int32)
    qtok = qtoks.astype(jnp.int32)
    out = _hist_call(sim2, dtok, qtok, C * Q, D)
    return out[:, :_NBINS].reshape(B, C, Q, _NBINS)

# --- scband reference (transcript-rebuilt; emitter-appended) ---
"""Pipeline reference for scband-count-histogram-10582799417489 (READ-ONLY COPY).

The authoritative reference and input builder live on the scoring server;
editing this copy changes nothing except your own understanding.
"""

import jax, jax.numpy as jnp
import numpy as np

NBINS = 29

def setup_inputs(seed: int = 0) -> dict:
    key = jax.random.key(seed)
    k1, k2, k3, k4 = jax.random.split(key, 4)
    B, C, Q, D = 16, 4, 16, 2048
    simmat = jax.random.uniform(k1, (B, C, Q, D), dtype=jnp.float32)
    dlens = jax.random.randint(k2, (B,), 0, D).astype(jnp.int64)
    dtoks = jax.random.randint(k3, (B, D), 0, 30000).astype(jnp.int64)
    qtoks = jax.random.randint(k4, (B, Q), 0, 30000).astype(jnp.int64)
    return {"simmat": simmat, "dlens": dlens, "dtoks": dtoks, "qtoks": qtoks}

def reference(simmat, dlens, dtoks, qtoks):
    nbins = NBINS
    B, C, Q, D = simmat.shape
    # bin index per similarity value (matching histogram, DRMM-style)
    bins = ((simmat + 1.00001) / 2.0 * (nbins - 1)).astype(jnp.int32)
    # mask out padding tokens (token id == -1)
    weights = ((dtoks != -1).reshape(B, 1, D) * (qtoks != -1).reshape(B, Q, 1)).astype(jnp.float32)
    w4 = jnp.broadcast_to(weights[:, None, :, :], (B, C, Q, D))
    # weighted bincount per (batch, channel, query) row via flat scatter-add
    offset = (jnp.arange(B * C * Q, dtype=jnp.int32) * nbins).reshape(B, C, Q, 1)
    flat_idx = (bins + offset).reshape(-1)
    hist = jnp.zeros(B * C * Q * nbins, dtype=jnp.float32).at[flat_idx].add(w4.reshape(-1))
    return hist.reshape(B, C, Q, nbins)

if __name__ == "__main__":
    import jax
    _d = setup_inputs()
    print(jax.jit(kernel)(*tuple(_d.values())))

</pallas_src>

<mosaic_0001>
#map = affine_map<(d0, d1) -> (0, 0)>
module attributes {stable_mosaic.version = 14 : i64} {
  func.func @body(%arg0: i32, %arg1: i32, %arg2: memref<1024x2048xf32, #tpu.memory_space<hbm>>, %arg3: memref<16x2048xi32, #tpu.memory_space<hbm>>, %arg4: memref<16x16xi32, #tpu.memory_space<hbm>>, %arg5: memref<1024x32xf32, #tpu.memory_space<hbm>>, %arg6: memref<32x2048xf32, #tpu.memory_space<vmem>>, %arg7: memref<2048xi32, #tpu.memory_space<vmem>>, %arg8: memref<16xi32, #tpu.memory_space<vmem>>, %arg9: memref<2048xf32, #tpu.memory_space<vmem>>, %arg10: memref<16xf32, #tpu.memory_space<vmem>>, %arg11: memref<17440xf32, #tpu.memory_space<vmem>>, %arg12: memref<32x32xf32, #tpu.memory_space<vmem>>, %arg13: memref<!tpu.dma_semaphore, #tpu.memory_space<semaphore_mem>>) attributes {dimension_semantics = [#tpu.dimension_semantics<core_parallel>, #tpu.dimension_semantics<subcore_parallel>], iteration_bounds = array<i64: 2, 16>, scalar_prefetch = 0 : i64, scratch_operands = 8 : i64, tpu.core_type = #tpu.core_type<sc_vector_subcore>, window_params = [{transform_indices = #map}, {transform_indices = #map}, {transform_indices = #map}, {transform_indices = #map}]} {
    %mul3A = arith.constant 2 : i32
    %mul3A_0 = arith.muli %arg1, %mul3A : i32
    %add3A = arith.addi %mul3A_0, %arg0 : i32
    %mul3A_1 = arith.constant 32 : i32
    %mul3A_2 = arith.muli %add3A, %mul3A_1 : i32
    %jit3A = arith.constant 64 : i32
    %div3A = arith.divsi %mul3A_2, %jit3A : i32
    %sign3A = arith.constant 0 : i32
    %sign3A_3 = arith.cmpi sgt, %mul3A_2, %sign3A : i32
    %sign3A_4 = arith.extui %sign3A_3 : i1 to i32
    %sign3A_5 = arith.constant 0 : i32
    %sign3A_6 = arith.cmpi slt, %mul3A_2, %sign3A_5 : i32
    %sign3A_7 = arith.extui %sign3A_6 : i1 to i32
    %sign3A_8 = arith.subi %sign3A_4, %sign3A_7 : i32
    %sign3A_9 = arith.constant 0 : i32
    %sign3A_10 = arith.cmpi sgt, %jit3A, %sign3A_9 : i32
    %sign3A_11 = arith.extui %sign3A_10 : i1 to i32
    %sign3A_12 = arith.constant 0 : i32
    %sign3A_13 = arith.cmpi slt, %jit3A, %sign3A_12 : i32
    %sign3A_14 = arith.extui %sign3A_13 : i1 to i32
    %sign3A_15 = arith.subi %sign3A_11, %sign3A_14 : i32
    %ne3A = arith.cmpi ne, %sign3A_8, %sign3A_15 : i32
    %rem3A = arith.remsi %mul3A_2, %jit3A : i32
    %ne3A_16 = arith.constant 0 : i32
    %ne3A_17 = arith.cmpi ne, %rem3A, %ne3A_16 : i32
    %and3A = arith.andi %ne3A, %ne3A_17 : i1
    %sub3A = arith.constant 1 : i32
    %sub3A_18 = arith.subi %div3A, %sub3A : i32
    %select_n3A = arith.select %and3A, %sub3A_18, %div3A : i32
    %dma_start3A = arith.constant 0 : i32
    %dma_start3A_19 = tpu.memref_slice %arg2[%mul3A_2, %dma_start3A] : memref<1024x2048xf32, #tpu.memory_space<hbm>> -> memref<32x2048xf32, #tpu.memory_space<hbm>>
    %dma_start3A_20 = arith.constant 0 : i32
    %dma_start3A_21 = tpu.memref_slice %arg2[%mul3A_2, %dma_start3A_20] : memref<1024x2048xf32, #tpu.memory_space<hbm>> -> memref<32x2048xf32, #tpu.memory_space<hbm>>
    tpu.enqueue_dma source(%dma_start3A_21 : memref<32x2048xf32, #tpu.memory_space<hbm>>) target(%arg6 : memref<32x2048xf32, #tpu.memory_space<vmem>>) target_semaphore(%arg13 : memref<!tpu.dma_semaphore, #tpu.memory_space<semaphore_mem>>)
    "tpu.region"() ({
      %run_scoped3A = tpu.sem_alloc : memref<!tpu.dma_semaphore, #tpu.memory_space<semaphore_mem>>
      %dma_start3A_53 = arith.constant 0 : i32
      %dma_start3A_54 = tpu.memref_slice %arg3[%select_n3A, %dma_start3A_53] : memref<16x2048xi32, #tpu.memory_space<hbm>> -> memref<1x2048xi32, #tpu.memory_space<hbm>>
      %dma_start3A_55 = tpu.memref_squeeze %dma_start3A_54 : memref<1x2048xi32, #tpu.memory_space<hbm>> -> memref<2048xi32, #tpu.memory_space<hbm>>
      %dma_start3A_56 = arith.constant 0 : i32
      %dma_start3A_57 = tpu.memref_slice %arg3[%select_n3A, %dma_start3A_56] : memref<16x2048xi32, #tpu.memory_space<hbm>> -> memref<1x2048xi32, #tpu.memory_space<hbm>>
      %dma_start3A_58 = tpu.memref_squeeze %dma_start3A_57 : memref<1x2048xi32, #tpu.memory_space<hbm>> -> memref<2048xi32, #tpu.memory_space<hbm>>
      tpu.enqueue_dma source(%dma_start3A_58 : memref<2048xi32, #tpu.memory_space<hbm>>) target(%arg7 : memref<2048xi32, #tpu.memory_space<vmem>>) target_semaphore(%run_scoped3A : memref<!tpu.dma_semaphore, #tpu.memory_space<semaphore_mem>>)
      %dma_wait3A_59 = arith.constant 0 : i32
      %dma_wait3A_60 = tpu.memref_slice %arg3[%select_n3A, %dma_wait3A_59] : memref<16x2048xi32, #tpu.memory_space<hbm>> -> memref<1x2048xi32, #tpu.memory_space<hbm>>
      %dma_wait3A_61 = tpu.memref_squeeze %dma_wait3A_60 : memref<1x2048xi32, #tpu.memory_space<hbm>> -> memref<2048xi32, #tpu.memory_space<hbm>>
      %dma_wait3A_62 = arith.constant 0 : i32
      %dma_wait3A_63 = tpu.memref_slice %arg3[%select_n3A, %dma_wait3A_62] : memref<16x2048xi32, #tpu.memory_space<hbm>> -> memref<1x2048xi32, #tpu.memory_space<hbm>>
      %dma_wait3A_64 = tpu.memref_squeeze %dma_wait3A_63 : memref<1x2048xi32, #tpu.memory_space<hbm>> -> memref<2048xi32, #tpu.memory_space<hbm>>
      tpu.wait_dma2 semaphore(%run_scoped3A : memref<!tpu.dma_semaphore, #tpu.memory_space<semaphore_mem>>) src(%dma_wait3A_64 : memref<2048xi32, #tpu.memory_space<hbm>>) dst(%arg7 : memref<2048xi32, #tpu.memory_space<vmem>>)
      tpu.yield
    }) : () -> ()
    "tpu.region"() ({
      %run_scoped3A = tpu.sem_alloc : memref<!tpu.dma_semaphore, #tpu.memory_space<semaphore_mem>>
      %dma_start3A_53 = arith.constant 0 : i32
      %dma_start3A_54 = tpu.memref_slice %arg4[%select_n3A, %dma_start3A_53] : memref<16x16xi32, #tpu.memory_space<hbm>> -> memref<1x16xi32, #tpu.memory_space<hbm>>
      %dma_start3A_55 = tpu.memref_squeeze %dma_start3A_54 : memref<1x16xi32, #tpu.memory_space<hbm>> -> memref<16xi32, #tpu.memory_space<hbm>>
      %dma_start3A_56 = arith.constant 0 : i32
      %dma_start3A_57 = tpu.memref_slice %arg4[%select_n3A, %dma_start3A_56] : memref<16x16xi32, #tpu.memory_space<hbm>> -> memref<1x16xi32, #tpu.memory_space<hbm>>
      %dma_start3A_58 = tpu.memref_squeeze %dma_start3A_57 : memref<1x16xi32, #tpu.memory_space<hbm>> -> memref<16xi32, #tpu.memory_space<hbm>>
      tpu.enqueue_dma source(%dma_start3A_58 : memref<16xi32, #tpu.memory_space<hbm>>) target(%arg8 : memref<16xi32, #tpu.memory_space<vmem>>) target_semaphore(%run_scoped3A : memref<!tpu.dma_semaphore, #tpu.memory_space<semaphore_mem>>)
      %dma_wait3A_59 = arith.constant 0 : i32
      %dma_wait3A_60 = tpu.memref_slice %arg4[%select_n3A, %dma_wait3A_59] : memref<16x16xi32, #tpu.memory_space<hbm>> -> memref<1x16xi32, #tpu.memory_space<hbm>>
      %dma_wait3A_61 = tpu.memref_squeeze %dma_wait3A_60 : memref<1x16xi32, #tpu.memory_space<hbm>> -> memref<16xi32, #tpu.memory_space<hbm>>
      %dma_wait3A_62 = arith.constant 0 : i32
      %dma_wait3A_63 = tpu.memref_slice %arg4[%select_n3A, %dma_wait3A_62] : memref<16x16xi32, #tpu.memory_space<hbm>> -> memref<1x16xi32, #tpu.memory_space<hbm>>
      %dma_wait3A_64 = tpu.memref_squeeze %dma_wait3A_63 : memref<1x16xi32, #tpu.memory_space<hbm>> -> memref<16xi32, #tpu.memory_space<hbm>>
      tpu.wait_dma2 semaphore(%run_scoped3A : memref<!tpu.dma_semaphore, #tpu.memory_space<semaphore_mem>>) src(%dma_wait3A_64 : memref<16xi32, #tpu.memory_space<hbm>>) dst(%arg8 : memref<16xi32, #tpu.memory_space<vmem>>)
      tpu.yield
    }) : () -> ()
    %broadcast_in_dim3A = arith.constant 0.000000e+00 : f32
    %broadcast_in_dim3A_22 = vector.broadcast %broadcast_in_dim3A : f32 to vector<16xf32>
    %broadcast_in_dim3A_23 = arith.constant 1.000000e+00 : f32
    %broadcast_in_dim3A_24 = vector.broadcast %broadcast_in_dim3A_23 : f32 to vector<16xf32>
    %parallel_loop3A = arith.constant 0 : i32
    %parallel_loop3A_25 = arith.constant 1090 : i32
    %parallel_loop3A_26 = arith.constant 1 : i32
    scf.for %parallel_loop3A_53 = %parallel_loop3A to %parallel_loop3A_25 step %parallel_loop3A_26  : i32 {
      %parallel_loop3A_54 = arith.constant 16 : i32
      %parallel_loop3A_55 = arith.muli %parallel_loop3A_53, %parallel_loop3A_54 : i32
      %parallel_loop3A_56 = arith.index_cast %parallel_loop3A_55 : i32 to index
      %parallel_loop3A_57 = tpu.vector_load %arg11[%parallel_loop3A_56] {strides = array<i32>} : memref<17440xf32, #tpu.memory_space<vmem>>, vector<16xf32>,
      tpu.vector_store %arg11[%parallel_loop3A_56], %broadcast_in_dim3A_22 {strides = array<i32>} : memref<17440xf32, #tpu.memory_space<vmem>>, vector<16xf32>,
    } {sc.loop_unroll_factor = 8 : i64, sc.parallel_access}
    %parallel_loop3A_27 = arith.constant 0 : i32
    %parallel_loop3A_28 = arith.constant 128 : i32
    %parallel_loop3A_29 = arith.constant 1 : i32
    scf.for %parallel_loop3A_53 = %parallel_loop3A_27 to %parallel_loop3A_28 step %parallel_loop3A_29  : i32 {
      %parallel_loop3A_54 = arith.constant 16 : i32
      %parallel_loop3A_55 = arith.muli %parallel_loop3A_53, %parallel_loop3A_54 : i32
      %parallel_loop3A_56 = arith.index_cast %parallel_loop3A_55 : i32 to index
      %parallel_loop3A_57 = tpu.vector_load %arg7[%parallel_loop3A_56] {strides = array<i32>} : memref<2048xi32, #tpu.memory_space<vmem>>, vector<16xi32>,
      %parallel_loop3A_58 = arith.constant -1 : i32
      %parallel_loop3A_59 = vector.broadcast %parallel_loop3A_58 : i32 to vector<16xi32>
      %parallel_loop3A_60 = arith.cmpi ne, %parallel_loop3A_57, %parallel_loop3A_59 : vector<16xi32>
      %parallel_loop3A_61 = arith.select %parallel_loop3A_60, %broadcast_in_dim3A_24, %broadcast_in_dim3A_22 : vector<16xi1>, vector<16xf32>
      %parallel_loop3A_62 = arith.constant 16 : i32
      %parallel_loop3A_63 = arith.muli %parallel_loop3A_53, %parallel_loop3A_62 : i32
      %parallel_loop3A_64 = arith.index_cast %parallel_loop3A_63 : i32 to index
      %parallel_loop3A_65 = tpu.vector_load %arg9[%parallel_loop3A_64] {strides = array<i32>} : memref<2048xf32, #tpu.memory_space<vmem>>, vector<16xf32>,
      tpu.vector_store %arg9[%parallel_loop3A_64], %parallel_loop3A_61 {strides = array<i32>} : memref<2048xf32, #tpu.memory_space<vmem>>, vector<16xf32>,
    } {sc.loop_unroll_factor = 4 : i64, sc.parallel_access}
    %get3A = arith.constant 0 : index
    %get3A_30 = tpu.vector_load %arg8[%get3A] {strides = array<i32>} : memref<16xi32, #tpu.memory_space<vmem>>, vector<16xi32>,
    %ne3A_31 = arith.constant -1 : i32
    %ne3A_32 = vector.broadcast %ne3A_31 : i32 to vector<16xi32>
    %ne3A_33 = arith.cmpi ne, %get3A_30, %ne3A_32 : vector<16xi32>
    %select_n3A_34 = arith.select %ne3A_33, %broadcast_in_dim3A_24, %broadcast_in_dim3A_22 : vector<16xi1>, vector<16xf32>
    %swap3A = arith.constant 0 : index
    %swap3A_35 = tpu.vector_load %arg10[%swap3A] {strides = array<i32>} : memref<16xf32, #tpu.memory_space<vmem>>, vector<16xf32>,
    tpu.vector_store %arg10[%swap3A], %select_n3A_34 {strides = array<i32>} : memref<16xf32, #tpu.memory_space<vmem>>, vector<16xf32>,
    %iota3A = tpu.iota {dimensions = array<i32: 0>} : vector<16xi32>
    %mul3A_36 = arith.constant 33 : i32
    %mul3A_37 = vector.broadcast %mul3A_36 : i32 to vector<16xi32>
    %mul3A_38 = arith.muli %iota3A, %mul3A_37 : vector<16xi32>
    %dma_wait3A = arith.constant 0 : i32
    %dma_wait3A_39 = tpu.memref_slice %arg2[%mul3A_2, %dma_wait3A] : memref<1024x2048xf32, #tpu.memory_space<hbm>> -> memref<32x2048xf32, #tpu.memory_space<hbm>>
    %dma_wait3A_40 = arith.constant 0 : i32
    %dma_wait3A_41 = tpu.memref_slice %arg2[%mul3A_2, %dma_wait3A_40] : memref<1024x2048xf32, #tpu.memory_space<hbm>> -> memref<32x2048xf32, #tpu.memory_space<hbm>>
    tpu.wait_dma2 semaphore(%arg13 : memref<!tpu.dma_semaphore, #tpu.memory_space<semaphore_mem>>) src(%dma_wait3A_41 : memref<32x2048xf32, #tpu.memory_space<hbm>>) dst(%arg6 : memref<32x2048xf32, #tpu.memory_space<vmem>>)
    %scan3A = arith.constant 0 : i32
    %scan3A_42 = arith.constant 0 : i32
    %scan3A_43 = arith.constant 32 : i32
    %scan3A_44 = arith.addi %scan3A_42, %scan3A_43 : i32
    %scan3A_45 = arith.constant 1 : i32
    scf.for %scan3A_53 = %scan3A_42 to %scan3A_44 step %scan3A_45  : i32 {
      %mul3A_54 = arith.constant 64 : i32
      %mul3A_55 = arith.muli %scan3A_53, %mul3A_54 : i32
      %add3A_56 = arith.constant 0 : i32
      %add3A_57 = arith.addi %mul3A_55, %add3A_56 : i32
      %get3A_58 = arith.index_cast %add3A_57 : i32 to index
      %get3A_59 = tpu.vector_load %arg9[%get3A_58] {strides = array<i32>} : memref<2048xf32, #tpu.memory_space<vmem>>, vector<16xf32>,
      %add3A_60 = arith.constant 16 : i32
      %add3A_61 = arith.addi %mul3A_55, %add3A_60 : i32
      %get3A_62 = arith.index_cast %add3A_61 : i32 to index
      %get3A_63 = tpu.vector_load %arg9[%get3A_62] {strides = array<i32>} : memref<2048xf32, #tpu.memory_space<vmem>>, vector<16xf32>,
      %add3A_64 = arith.constant 32 : i32
      %add3A_65 = arith.addi %mul3A_55, %add3A_64 : i32
      %get3A_66 = arith.index_cast %add3A_65 : i32 to index
      %get3A_67 = tpu.vector_load %arg9[%get3A_66] {strides = array<i32>} : memref<2048xf32, #tpu.memory_space<vmem>>, vector<16xf32>,
      %add3A_68 = arith.constant 48 : i32
      %add3A_69 = arith.addi %mul3A_55, %add3A_68 : i32
      %get3A_70 = arith.index_cast %add3A_69 : i32 to index
      %get3A_71 = tpu.vector_load %arg9[%get3A_70] {strides = array<i32>} : memref<2048xf32, #tpu.memory_space<vmem>>, vector<16xf32>,
      %parallel_loop3A_72 = arith.constant 0 : i32
      %parallel_loop3A_73 = arith.constant 32 : i32
      %parallel_loop3A_74 = arith.constant 1 : i32
      scf.for %parallel_loop3A_75 = %parallel_loop3A_72 to %parallel_loop3A_73 step %parallel_loop3A_74  : i32 {
        %parallel_loop3A_76 = arith.constant 545 : i32
        %parallel_loop3A_77 = arith.muli %parallel_loop3A_75, %parallel_loop3A_76 : i32
        %parallel_loop3A_78 = vector.broadcast %parallel_loop3A_77 : i32 to vector<16xi32>
        %parallel_loop3A_79 = arith.addi %mul3A_38, %parallel_loop3A_78 : vector<16xi32>
        %parallel_loop3A_80 = arith.constant 0 : i32
        %parallel_loop3A_81 = arith.addi %mul3A_55, %parallel_loop3A_80 : i32
        %parallel_loop3A_82 = arith.index_cast %parallel_loop3A_75 : i32 to index
        %parallel_loop3A_83 = arith.index_cast %parallel_loop3A_81 : i32 to index
        %parallel_loop3A_84 = tpu.vector_load %arg6[%parallel_loop3A_82, %parallel_loop3A_83] {strides = array<i32>} : memref<32x2048xf32, #tpu.memory_space<vmem>>, vector<16xf32>,
        %parallel_loop3A_85 = arith.constant 1.000010e+00 : f32
        %parallel_loop3A_86 = vector.broadcast %parallel_loop3A_85 : f32 to vector<16xf32>
        %parallel_loop3A_87 = arith.addf %parallel_loop3A_84, %parallel_loop3A_86 : vector<16xf32>
        %parallel_loop3A_88 = arith.constant 1.400000e+01 : f32
        %parallel_loop3A_89 = vector.broadcast %parallel_loop3A_88 : f32 to vector<16xf32>
        %parallel_loop3A_90 = arith.mulf %parallel_loop3A_87, %parallel_loop3A_89 : vector<16xf32>
        %parallel_loop3A_91 = arith.fptosi %parallel_loop3A_90 : vector<16xf32> to vector<16xi32>
        %parallel_loop3A_92 = arith.addi %parallel_loop3A_91, %parallel_loop3A_79 : vector<16xi32>
        tpu.vector_store_idx %arg11[%parallel_loop3A_92], %get3A_59 {add = true} : memref<17440xf32, #tpu.memory_space<vmem>>[vector<16xi32>], vector<16xf32>,
        %parallel_loop3A_93 = arith.constant 16 : i32
        %parallel_loop3A_94 = arith.addi %mul3A_55, %parallel_loop3A_93 : i32
        %parallel_loop3A_95 = arith.index_cast %parallel_loop3A_75 : i32 to index
        %parallel_loop3A_96 = arith.index_cast %parallel_loop3A_94 : i32 to index
        %parallel_loop3A_97 = tpu.vector_load %arg6[%parallel_loop3A_95, %parallel_loop3A_96] {strides = array<i32>} : memref<32x2048xf32, #tpu.memory_space<vmem>>, vector<16xf32>,
        %parallel_loop3A_98 = arith.constant 1.000010e+00 : f32
        %parallel_loop3A_99 = vector.broadcast %parallel_loop3A_98 : f32 to vector<16xf32>
        %parallel_loop3A_100 = arith.addf %parallel_loop3A_97, %parallel_loop3A_99 : vector<16xf32>
        %parallel_loop3A_101 = arith.constant 1.400000e+01 : f32
        %parallel_loop3A_102 = vector.broadcast %parallel_loop3A_101 : f32 to vector<16xf32>
        %parallel_loop3A_103 = arith.mulf %parallel_loop3A_100, %parallel_loop3A_102 : vector<16xf32>
        %parallel_loop3A_104 = arith.fptosi %parallel_loop3A_103 : vector<16xf32> to vector<16xi32>
        %parallel_loop3A_105 = arith.addi %parallel_loop3A_104, %parallel_loop3A_79 : vector<16xi32>
        tpu.vector_store_idx %arg11[%parallel_loop3A_105], %get3A_63 {add = true} : memref<17440xf32, #tpu.memory_space<vmem>>[vector<16xi32>], vector<16xf32>,
        %parallel_loop3A_106 = arith.constant 32 : i32
        %parallel_loop3A_107 = arith.addi %mul3A_55, %parallel_loop3A_106 : i32
        %parallel_loop3A_108 = arith.index_cast %parallel_loop3A_75 : i32 to index
        %parallel_loop3A_109 = arith.index_cast %parallel_loop3A_107 : i32 to index
        %parallel_loop3A_110 = tpu.vector_load %arg6[%parallel_loop3A_108, %parallel_loop3A_109] {strides = array<i32>} : memref<32x2048xf32, #tpu.memory_space<vmem>>, vector<16xf32>,
        %parallel_loop3A_111 = arith.constant 1.000010e+00 : f32
        %parallel_loop3A_112 = vector.broadcast %parallel_loop3A_111 : f32 to vector<16xf32>
        %parallel_loop3A_113 = arith.addf %parallel_loop3A_110, %parallel_loop3A_112 : vector<16xf32>
        %parallel_loop3A_114 = arith.constant 1.400000e+01 : f32
        %parallel_loop3A_115 = vector.broadcast %parallel_loop3A_114 : f32 to vector<16xf32>
        %parallel_loop3A_116 = arith.mulf %parallel_loop3A_113, %parallel_loop3A_115 : vector<16xf32>
        %parallel_loop3A_117 = arith.fptosi %parallel_loop3A_116 : vector<16xf32> to vector<16xi32>
        %parallel_loop3A_118 = arith.addi %parallel_loop3A_117, %parallel_loop3A_79 : vector<16xi32>
        tpu.vector_store_idx %arg11[%parallel_loop3A_118], %get3A_67 {add = true} : memref<17440xf32, #tpu.memory_space<vmem>>[vector<16xi32>], vector<16xf32>,
        %parallel_loop3A_119 = arith.constant 48 : i32
        %parallel_loop3A_120 = arith.addi %mul3A_55, %parallel_loop3A_119 : i32
        %parallel_loop3A_121 = arith.index_cast %parallel_loop3A_75 : i32 to index
        %parallel_loop3A_122 = arith.index_cast %parallel_loop3A_120 : i32 to index
        %parallel_loop3A_123 = tpu.vector_load %arg6[%parallel_loop3A_121, %parallel_loop3A_122] {strides = array<i32>} : memref<32x2048xf32, #tpu.memory_space<vmem>>, vector<16xf32>,
        %parallel_loop3A_124 = arith.constant 1.000010e+00 : f32
        %parallel_loop3A_125 = vector.broadcast %parallel_loop3A_124 : f32 to vector<16xf32>
        %parallel_loop3A_126 = arith.addf %parallel_loop3A_123, %parallel_loop3A_125 : vector<16xf32>
        %parallel_loop3A_127 = arith.constant 1.400000e+01 : f32
        %parallel_loop3A_128 = vector.broadcast %parallel_loop3A_127 : f32 to vector<16xf32>
        %parallel_loop3A_129 = arith.mulf %parallel_loop3A_126, %parallel_loop3A_128 : vector<16xf32>
        %parallel_loop3A_130 = arith.fptosi %parallel_loop3A_129 : vector<16xf32> to vector<16xi32>
        %parallel_loop3A_131 = arith.addi %parallel_loop3A_130, %parallel_loop3A_79 : vector<16xi32>
        tpu.vector_store_idx %arg11[%parallel_loop3A_131], %get3A_71 {add = true} : memref<17440xf32, #tpu.memory_space<vmem>>[vector<16xi32>], vector<16xf32>,
      } {sc.loop_unroll_factor = 8 : i64, sc.parallel_access}
    }
    %scan3A_46 = arith.constant 32 : i32
    %scan3A_47 = arith.constant 0 : i32
    %scan3A_48 = arith.constant 0 : i32
    %scan3A_49 = arith.constant 32 : i32
    %scan3A_50 = arith.addi %scan3A_48, %scan3A_49 : i32
    %scan3A_51 = arith.constant 1 : i32
    scf.for %scan3A_53 = %scan3A_48 to %scan3A_50 step %scan3A_51  : i32 {
      %broadcast_in_dim3A_54 = arith.constant 0.000000e+00 : f32
      %broadcast_in_dim3A_55 = vector.broadcast %broadcast_in_dim3A_54 : f32 to vector<16xf32>
      %broadcast_in_dim3A_56 = arith.constant 0.000000e+00 : f32
      %broadcast_in_dim3A_57 = vector.broadcast %broadcast_in_dim3A_56 : f32 to vector<16xf32>
      %parallel_loop3A_58 = arith.constant 0 : i32
      %parallel_loop3A_59 = arith.constant 16 : i32
      %parallel_loop3A_60 = arith.constant 1 : i32
      %parallel_loop3A_61:2 = scf.for %parallel_loop3A_85 = %parallel_loop3A_58 to %parallel_loop3A_59 step %parallel_loop3A_60 iter_args(%parallel_loop3A_86 = %broadcast_in_dim3A_55, %parallel_loop3A_87 = %broadcast_in_dim3A_57) -> (vector<16xf32>, vector<16xf32>)  : i32 {
        %parallel_loop3A_88 = arith.constant 545 : i32
        %parallel_loop3A_89 = arith.muli %scan3A_53, %parallel_loop3A_88 : i32
        %parallel_loop3A_90 = arith.constant 33 : i32
        %parallel_loop3A_91 = arith.muli %parallel_loop3A_85, %parallel_loop3A_90 : i32
        %parallel_loop3A_92 = arith.addi %parallel_loop3A_89, %parallel_loop3A_91 : i32
        %parallel_loop3A_93 = arith.index_cast %parallel_loop3A_92 : i32 to index
        %parallel_loop3A_94 = tpu.vector_load %arg11[%parallel_loop3A_93] {strides = array<i32>} : memref<17440xf32, #tpu.memory_space<vmem>>, vector<16xf32>,
        %parallel_loop3A_95 = arith.constant 16 : i32
        %parallel_loop3A_96 = arith.addi %parallel_loop3A_92, %parallel_loop3A_95 : i32
        %parallel_loop3A_97 = arith.index_cast %parallel_loop3A_96 : i32 to index
        %parallel_loop3A_98 = tpu.vector_load %arg11[%parallel_loop3A_97] {strides = array<i32>} : memref<17440xf32, #tpu.memory_space<vmem>>, vector<16xf32>,
        %parallel_loop3A_99 = arith.index_cast %parallel_loop3A_92 : i32 to index
        %parallel_loop3A_100 = tpu.vector_load %arg11[%parallel_loop3A_99] {strides = array<i32>} : memref<17440xf32, #tpu.memory_space<vmem>>, vector<16xf32>,
        tpu.vector_store %arg11[%parallel_loop3A_99], %broadcast_in_dim3A_22 {strides = array<i32>} : memref<17440xf32, #tpu.memory_space<vmem>>, vector<16xf32>,
        %parallel_loop3A_101 = arith.constant 16 : i32
        %parallel_loop3A_102 = arith.addi %parallel_loop3A_92, %parallel_loop3A_101 : i32
        %parallel_loop3A_103 = arith.index_cast %parallel_loop3A_102 : i32 to index
        %parallel_loop3A_104 = tpu.vector_load %arg11[%parallel_loop3A_103] {strides = array<i32>} : memref<17440xf32, #tpu.memory_space<vmem>>, vector<16xf32>,
        tpu.vector_store %arg11[%parallel_loop3A_103], %broadcast_in_dim3A_22 {strides = array<i32>} : memref<17440xf32, #tpu.memory_space<vmem>>, vector<16xf32>,
        %parallel_loop3A_105 = arith.addf %parallel_loop3A_86, %parallel_loop3A_94 : vector<16xf32>
        %parallel_loop3A_106 = arith.addf %parallel_loop3A_87, %parallel_loop3A_98 : vector<16xf32>
        scf.yield %parallel_loop3A_105, %parallel_loop3A_106 : vector<16xf32>, vector<16xf32>
      } {sc.loop_unroll_factor = 4 : i64, sc.parallel_access}
      %jit3A_62 = arith.constant 16 : i32
      %eq3A = arith.constant 0 : i32
      %eq3A_63 = arith.cmpi eq, %jit3A_62, %eq3A : i32
      %jit3A_64 = arith.constant 1 : i32
      %select_n3A_65 = arith.select %eq3A_63, %jit3A_64, %jit3A_62 : i32
      %rem3A_66 = arith.remsi %scan3A_53, %select_n3A_65 : i32
      %ne3A_67 = arith.constant 0 : i32
      %ne3A_68 = arith.cmpi ne, %rem3A_66, %ne3A_67 : i32
      %lt3A = arith.constant 0 : i32
      %lt3A_69 = arith.cmpi slt, %rem3A_66, %lt3A : i32
      %lt3A_70 = arith.constant 0 : i32
      %lt3A_71 = arith.cmpi slt, %select_n3A_65, %lt3A_70 : i32
      %ne3A_72 = arith.xori %lt3A_69, %lt3A_71 : i1
      %and3A_73 = arith.andi %ne3A_72, %ne3A_68 : i1
      %add3A_74 = arith.addi %rem3A_66, %select_n3A_65 : i32
      %select_n3A_75 = arith.select %and3A_73, %add3A_74, %rem3A_66 : i32
      %broadcast_in_dim3A_76 = vector.broadcast %select_n3A_75 : i32 to vector<16xi32>
      %gather3A = tpu.vector_load_idx %arg10[%broadcast_in_dim3A_76] : memref<16xf32, #tpu.memory_space<vmem>>[vector<16xi32>], vector<16xf32>,
      %mul3A_77 = arith.mulf %parallel_loop3A_61#0, %gather3A : vector<16xf32>
      %swap3A_78 = arith.index_cast %scan3A_53 : i32 to index
      %swap3A_79 = arith.constant 0 : index
      %swap3A_80 = tpu.vector_load %arg12[%swap3A_78, %swap3A_79] {strides = array<i32>} : memref<32x32xf32, #tpu.memory_space<vmem>>, vector<16xf32>,
      tpu.vector_store %arg12[%swap3A_78, %swap3A_79], %mul3A_77 {strides = array<i32>} : memref<32x32xf32, #tpu.memory_space<vmem>>, vector<16xf32>,
      %mul3A_81 = arith.mulf %parallel_loop3A_61#1, %gather3A : vector<16xf32>
      %swap3A_82 = arith.index_cast %scan3A_53 : i32 to index
      %swap3A_83 = arith.constant 16 : index
      %swap3A_84 = tpu.vector_load %arg12[%swap3A_82, %swap3A_83] {strides = array<i32>} : memref<32x32xf32, #tpu.memory_space<vmem>>, vector<16xf32>,
      tpu.vector_store %arg12[%swap3A_82, %swap3A_83], %mul3A_81 {strides = array<i32>} : memref<32x32xf32, #tpu.memory_space<vmem>>, vector<16xf32>,
    }
    %scan3A_52 = arith.constant 32 : i32
    "tpu.region"() ({
      %run_scoped3A = tpu.sem_alloc : memref<!tpu.dma_semaphore, #tpu.memory_space<semaphore_mem>>
      %dma_start3A_53 = arith.constant 0 : i32
      %dma_start3A_54 = tpu.memref_slice %arg5[%mul3A_2, %dma_start3A_53] : memref<1024x32xf32, #tpu.memory_space<hbm>> -> memref<32x32xf32, #tpu.memory_space<hbm>>
      %dma_start3A_55 = arith.constant 0 : i32
      %dma_start3A_56 = tpu.memref_slice %arg5[%mul3A_2, %dma_start3A_55] : memref<1024x32xf32, #tpu.memory_space<hbm>> -> memref<32x32xf32, #tpu.memory_space<hbm>>
      tpu.enqueue_dma source(%arg12 : memref<32x32xf32, #tpu.memory_space<vmem>>) target(%dma_start3A_56 : memref<32x32xf32, #tpu.memory_space<hbm>>) target_semaphore(%run_scoped3A : memref<!tpu.dma_semaphore, #tpu.memory_space<semaphore_mem>>)
      %dma_wait3A_57 = arith.constant 0 : i32
      %dma_wait3A_58 = tpu.memref_slice %arg5[%mul3A_2, %dma_wait3A_57] : memref<1024x32xf32, #tpu.memory_space<hbm>> -> memref<32x32xf32, #tpu.memory_space<hbm>>
      %dma_wait3A_59 = arith.constant 0 : i32
      %dma_wait3A_60 = tpu.memref_slice %arg5[%mul3A_2, %dma_wait3A_59] : memref<1024x32xf32, #tpu.memory_space<hbm>> -> memref<32x32xf32, #tpu.memory_space<hbm>>
      tpu.wait_dma2 semaphore(%run_scoped3A : memref<!tpu.dma_semaphore, #tpu.memory_space<semaphore_mem>>) src(%arg12 : memref<32x32xf32, #tpu.memory_space<vmem>>) dst(%dma_wait3A_60 : memref<32x32xf32, #tpu.memory_space<hbm>>)
      tpu.yield
    }) : () -> ()
    return
  }
}

</mosaic_0001>

<sc_bundles>
// kernel: _hist_call.3.cloned.1.call-start
scs
__scs_entry_jumppad:
0x0: {  	(pc) =	sbr.rel $0x88, $3  }
0x1: {  	(tag) =	ssettag $0x0;
	lr =	simm.s32 $0x1  }
0x2: {  	[smem:$0x3F9E] =	sst lr;
	_ =	strace $0xD0000000  }
0x3: {  	_ = 	snop  }
0x4: {  	_ = 	snop  }
0x5: {  	_ = 	snop  }
0x6: {  	_ = 	snop  }
0x7: {  	_ = 	snop  }
__scs_overlays_trampoline_lowered:
0x8: {  	[smem:$0x3FAD] =	sst s0  }
0x9: {  	[smem:$0x3FAE] =	sst s1  }
0xa: {  	[smem:$0x3FAF] =	sst s2  }
0xb: {  	[smem:$0x3FB0] =	sst s3  }
0xc: {  	[smem:$0x3FB1] =	sst s4  }
0xd: {  	[smem:$0x3FB2] =	sst s5  }
0xe: {  	[smem:$0x3FB3] =	sst s6  }
0xf: {  	[smem:$0x3FB4] =	sst s7  }
0x10: {  	[smem:$0x3FB5] =	sst s8  }
0x11: {  	[smem:$0x3FB6] =	sst s9;
	s0 =	simm.s32 @!p0 $0x0  }
0x12: {  	s1 =	sld [smem:$0x3F9C];
	s0 =	simm.s32 @p0 $0x1  }
0x13: {  	[smem:$0x3FB7] =	sst s0;
	s0 =	simm.s32 @!p1 $0x0  }
0x14: {  	s2 =	sld [smem:$0x3F9B];
	s0 =	simm.s32 @p1 $0x1  }
0x15: {  	[smem:$0x3FB8] =	sst s0;
	s0 =	simm.s32 @!p2 $0x0  }
0x16: {  	s3 =	sld [smem:$0x3FDB];
	s0 =	simm.s32 @p2 $0x1  }
0x17: {  	s4 =	simm.s32 $0x1BF5;
	[smem:$0x3FBA] =	sst s0  }
0x18: {  	s0 =	sld [smem:$0x3F9D];
	_ =	swait.ge [sflag:s4], $0x0  }
0x19: {  	s7 =	sld [smem:$0x3F9E]  }
0x1a: {  	s8 =	sadd.s32 $0xFFFFE003, lr  }
0x1b: {  	s9 =	sadd.s32 $0xFFFFFEF7, lr;
	s5 =	simm.s32 $0xFFFFFFFF;
	p2 =	slt.u32 s8, $0xFFFFF086  }
0x1c: {  	p1 =	slt.u32 s9, $0xF7A;
	s5 =	simm.s32 @!p2 $0x0  }
0x1d: {  	s5 =	simm.s32 @p1 $0x1;
	p0 =	seq.s32 s7, s2  }
0x1e: {  	s7 =	smul.u32 @!p0 $0xF7A, s2;
	p2 =	seq.s32 @!p0 s5, $0x0  }
0x1f: {  	s9 =	smul.u32 $0xF7A, s1;
	s8 =	simm.s32 @!p0 $0x1BF5;
	p2 =	por !p2, p0  }
0x20: {  	[sflag:s8] =	ssyncset.s32 @!p0 $0xFFFFF086;
	s6 =	sadd.s32 @!p0 s3, s7;
	s7 =	simm.s32 @!p0 $0x108  }
0x21: {  	s3 =	sadd.s32 s3, s9;
	s6 =	sadd.s32 @!p0 $0x88, s6;
	s7 =	simm.s32 @p2 $0x1082  }
0x22: {  	[simem:s7], [sflag:s8] =	dma.local @!p0 [hbm:s6], $0xF7A  }
0x23: {  	s9 =	sor.u32 $0xD0000000, s2;
	s6 =	simm.s32 $0x108;
	_ =	swait.ge @!p0 [sflag:s8], $0x0  }
0x24: {  	s3 =	sadd.s32 $0x88, s3;
	s6 =	simm.s32 @!p1 $0x1082;
	[sflag:s4] =	ssyncset.s32 $0xFFFFF086  }
0x25: {  	[simem:s6], [sflag:s4] =	dma.local [hbm:s3], $0xF7A  }
0x26: {  	[smem:$0x3F9E] =	sst s1;
	(tag) =	ssettag s2;
	_ =	strace s9  }
0x27: {  	s1 =	sld [smem:$0x3FAE]  }
0x28: {  	s2 =	sld [smem:$0x3FAF]  }
0x29: {  	s4 =	sld [smem:$0x3FB1]  }
0x2a: {  	p0 =	seq.s32 s5, $0x0;
	s5 =	sld [smem:$0x3FB2]  }
0x2b: {  	s6 =	sld [smem:$0x3FB3]  }
0x2c: {  	s7 =	sld [smem:$0x3FB4]  }
0x2d: {  	s3 =	simm.s32 $0x108;
	s8 =	sld [smem:$0x3FB5]  }
0x2e: {  	s3 =	simm.s32 @!p0 $0x1082;
	s9 =	sld [smem:$0x3FB6]  }
0x2f: {  	lr =	sadd.s32 s0, s3;
	s0 =	sld [smem:$0x3FAD]  }
0x30: {  	s3 =	sld [smem:$0x3FB0]  }
0x31: {  	[smem:$0x3FB9] =	sst s10  }
0x32: {  	s10 =	sld [smem:$0x3FB7];
	_ =	sdelay $0x3  }
0x33: {  	p0 =	seq.s32 s10, $0x1;
	s10 =	sld [smem:$0x3FB9];
	_ =	sdelay $0x3  }
0x34: {  	[smem:$0x3FB9] =	sst s10  }
0x35: {  	s10 =	sld [smem:$0x3FB8];
	_ =	sdelay $0x3  }
0x36: {  	p1 =	seq.s32 s10, $0x1;
	s10 =	sld [smem:$0x3FB9];
	_ =	sdelay $0x3  }
0x37: {  	[smem:$0x3FB9] =	sst s10  }
0x38: {  	s10 =	sld [smem:$0x3FBA]  }
0x39: {  	_ = 	snop;
	(pc) =	sbr.ind lr, $3  }
0x3a: {  	_ = 	snop  }
0x3b: {  	_ = 	snop  }
0x3c: {  	p2 =	seq.s32 s10, $0x1;
	s10 =	sld [smem:$0x3FB9]  }
0x3d: {  	_ =	shalt  }
0x3e: {  	_ =	shalt  }
0x3f: {  	_ =	shalt  }
0x40: {  	_ =	shalt  }
0x41: {  	_ =	shalt  }
0x42: {  	_ =	shalt  }
0x43: {  	_ =	shalt  }
0x44: {  	_ =	shalt  }
0x45: {  	_ =	shalt  }
0x46: {  	_ =	shalt  }
0x47: {  	_ =	shalt  }
0x48: {  	_ =	shalt  }
0x49: {  	_ =	shalt  }
0x4a: {  	_ =	shalt  }
0x4b: {  	_ =	shalt  }
0x4c: {  	_ =	shalt  }
0x4d: {  	_ =	shalt  }
0x4e: {  	_ =	shalt  }
0x4f: {  	_ =	shalt  }
0x50: {  	_ =	shalt  }
0x51: {  	_ =	shalt  }
0x52: {  	_ =	shalt  }
0x53: {  	_ =	shalt  }
0x54: {  	_ =	shalt  }
0x55: {  	_ =	shalt  }
0x56: {  	_ =	shalt  }
0x57: {  	_ =	shalt  }
0x58: {  	_ =	shalt  }
0x59: {  	_ =	shalt  }
0x5a: {  	_ =	shalt  }
0x5b: {  	_ =	shalt  }
0x5c: {  	_ =	shalt  }
0x5d: {  	_ =	shalt  }
0x5e: {  	_ =	shalt  }
0x5f: {  	_ =	shalt  }
0x60: {  	_ =	shalt  }
0x61: {  	_ =	shalt  }
0x62: {  	_ =	shalt  }
0x63: {  	_ =	shalt  }
0x64: {  	_ =	shalt  }
0x65: {  	_ =	shalt  }
0x66: {  	_ =	shalt  }
0x67: {  	_ =	shalt  }
0x68: {  	_ =	shalt  }
0x69: {  	_ =	shalt  }
0x6a: {  	_ =	shalt  }
0x6b: {  	_ =	shalt  }
0x6c: {  	_ =	shalt  }
0x6d: {  	_ =	shalt  }
0x6e: {  	_ =	shalt  }
0x6f: {  	_ =	shalt  }
0x70: {  	_ =	shalt  }
0x71: {  	_ =	shalt  }
0x72: {  	_ =	shalt  }
0x73: {  	_ =	shalt  }
0x74: {  	_ =	shalt  }
0x75: {  	_ =	shalt  }
0x76: {  	_ =	shalt  }
0x77: {  	_ =	shalt  }
0x78: {  	_ =	shalt  }
0x79: {  	_ =	shalt  }
0x7a: {  	_ =	shalt  }
0x7b: {  	_ =	shalt  }
0x7c: {  	_ =	shalt  }
0x7d: {  	_ =	shalt  }
0x7e: {  	_ =	shalt  }
0x7f: {  	_ =	shalt  }
0x80: {  	_ =	shalt  }
0x81: {  	_ =	shalt  }
0x82: {  	_ =	shalt  }
0x83: {  	_ =	shalt  }
0x84: {  	_ =	shalt  }
0x85: {  	_ =	shalt  }
0x86: {  	_ =	shalt  }
0x87: {  	_ =	shalt  }
.Lfunc_end0:
.L_simem_size_0:
called_computation_lowered:
.L_overlay_start_0:
0x88: {  	s2 =	sld [smem:$0x3FD9]  }
0x89: {  	s3 =	sld [smem:$0x3FFE];
	_ =	sdelay $0x1  }
0x8a: {  	s1 =	srdreg.scid  }
0x8b: {  	s0 =	sand.u32 $0x1, s1  }
0x8c: {  	s17 =	sshll.u32 s0, $0xA;
	s2 =	sadd.s32 s3, s2  }
0x8d: {  	s2 =	sadd.s32 s2, s17  }
0x8e: {  	[smem:$0x3FC5] =	sst s2  }
0x8f: {  	_ = 	snop  }
0x90: {  	s2 =	sld [smem:$0x3FC9]  }
0x91: {  	s18 =	sld [smem:$0x3FC8]  }
0x92: {  	s4 =	sld [smem:$0x3FC7];
	(tm) =	ssettm $0x1  }
0x93: {  	s5 =	sld [smem:$0x3FFB];
	_ =	sdelay $0x3  }
0x94: {  	_ =	strace s5  }
0x95: {  	s5 =	sld [smem:$0x3FFC];
	_ =	sdelay $0x3  }
0x96: {  	_ =	strace s5  }
0x97: {  	s5 =	sld [smem:$0x3FFD];
	_ =	sdelay $0x3  }
0x98: {  	_ =	strace s5  }
0x99: {  	_ =	strace $0x8FFFFFFF  }
0x9a: {  	s19 =	sld [smem:$0x3FDB];
	_ =	sdelay $0x1  }
0x9b: {  	s6 =	simm.s32 $_scs_section_size  }
0x9c: {  	s7 =	simm.s32 $_size__tile_overlayer_lowered;
	s8 =	simm.s32 $_tile_overlayer_lowered  }
0x9d: {  	s22 =	simm.s32 $0x1BFF;
	s21 =	sshll.u32 s8, $0x1;
	s5 =	sadd.s32 s6, s19  }
0x9e: {  	s9 =	simm.s32 $0x0;
	s20 =	sshll.u32 s7, $0x1;
	s7 =	sadd.s32 s21, s5  }
0x9f: {  	[timem:s9], [sflag:s22] =	dma.local [hbm:s7], s20  }
0xa0: {  	_ =	swait.ge [sflag:s22], s20  }
0xa1: {  	s6 =	ssub.s32 $0x0, s20;
	[sflag:s22] =	ssyncset.done $0x0  }
0xa2: {  	[sflag:s22] =	ssyncadd.s32 s6;
	_ =	sdelay $0x1  }
0xa3: {  	s23 =	simm.s32 $0x1B8B  }
0xa4: {  	_ =	swait.ge [sflag:s23], $0x1  }
0xa5: {  	[sflag:s23] =	ssyncset.done $0x0  }
0xa6: {  	s25 =	simm.s32 $0x1B8E;
	s24 =	sld [smem:$0x3FFE];
	[sflag:s23] =	ssyncadd.s32 $0xFFFFFFFF  }
0xa7: {  	s26 =	simm.s32 $execute0_lowered;
	[smem:$0x3FD2] =	sst s25  }
0xa8: {  	s7 =	sshll.u32 s26, $0x1;
	_ =	strace $0x80000046;
	[dreg:$0x1] =	wrdreg $0xFFFFFFFF  }
0xa9: {  	s28 =	simm.s32 $_size_execute0_lowered;
	s5 =	sadd.s32 s5, s7;
	[dreg:$0x0] =	wrdreg $0x0  }
0xaa: {  	s7 =	sshll.u32 s28, $0x1;
	[dreg:$0x2] =	wrdreg s5  }
0xab: {  	[dreg:$0x3] =	wrdreg s7  }
0xac: {  	[dreg:$0x4] =	wrdreg $0xC0  }
0xad: {  	_ =	task [dreg:s9], $0x5FFFF  }
0xae: {  	[dreg:$0x1] =	wrdreg $0xFFFFFFFF  }
0xaf: {  	[dreg:$0x0] =	wrdreg $0x60  }
0xb0: {  	[dreg:$0x2] =	wrdreg s2  }
0xb1: {  	[dreg:$0x3] =	wrdreg s18  }
0xb2: {  	[dreg:$0x4] =	wrdreg s4  }
0xb3: {  	[dreg:$0x5] =	wrdreg s24  }
0xb4: {  	[dreg:$0x6] =	wrdreg $0x9  }
0xb5: {  	_ =	task.clear_ibuf [dreg:s9], $0x7FFFF;
	_ =	strace $0x90000046  }
0xb6: {  	s29 =	simm.s32 $0x9;
	_ =	strace $0x80000048  }
0xb7: {  	_ =	swait.ge [sflag:s29], $0x1  }
0xb8: {  	[sflag:s29] =	ssyncadd.s32 $0xFFFFFFFF  }
0xb9: {  	_ =	strace $0x90000048  }
0xba: {  	_ =	sfence  }
0xbb: {  	s30 =	sld [smem:$0x0];
	_ =	sdelay $0x2  }
0xbc: {  	s31 =	sshll.u32 s1, $0xD;
	s1 =	sshrl.u32 s1, $0x2  }
0xbd: {  	s3 =	sand.u32 $0x4000, s31;
	s1 =	sadd.s32 s1, s30  }
0xbe: {  	s0 =	sor.u32 s3, s0;
	s1 =	sshll.u32 s1, $0x11  }
0xbf: {  	s0 =	sor.u32 s1, s0  }
0xc0: {  	s0 =	sadd.s32 $0x8F2B, s0  }
0xc1: {  	[sflag:s0] =	ssyncadd.remote.s32 $0x1  }
0xc2: {  	_ =	sfence.sel $0xFFFF  }
0xc3: {  	[dreg:$0x0] =	wrdreg $0xFFFFFFFF;
	(pc) =	sbr.abs _section_cstart, $3  }
0xc4: {  	[dreg:$0x1] =	wrdreg $0xFFFFFFFF  }
0xc5: {  	_ =	task.clear_ibuf [dreg:s9], $0x2FFFF;
	_ =	strace $0x9FFFFFFF  }
0xc6: {  	(tm) =	ssettm $0x7FFFFFFF  }
0xc7: {  	_ =	shalt  }
tec
execute0_lowered:
.L_overlay_start_1:
0x0: {  	(tag) =	ssettag $0x1  }
0x1: {  	s3 =	rddreg [dreg:$0x0]  }
0x2: {  	s5 =	rddreg [dreg:$0x1]  }
0x3: {  	s1 =	srdreg.scid;
	s6 =	rddreg [dreg:$0x2]  }
0x4: {  	s0 =	stileid.u32;
	s8 =	rddreg [dreg:$0x3]  }
0x5: {  	s9 =	simm.s32 $0x1;
	s12 =	simm.s32 $0x2;
	s13 =	simm.s32 $0x10800  }
0x6: {  	s14 =	simm.s32 $0x11100;
	s15 =	simm.s32 $0x11080;
	s16 =	simm.s32 $0x15580  }
0x7: {  	s17 =	simm.s32 $0x0;
	s4 =	sand.u32 $0x1, s1;
	s26 =	sshll.u32 s0, $0x6  }
0x8: {  	s1 =	rddreg [dreg:$0x4];
	s2 =	sshll.u32 s4, $0x5;
	p1 =	seq.s32 s4, $0x1  }
0x9: {  	s4 =	ssub.s32 $0x2, s4;
	s7 =	sor.u32 s2, s26;
	s2 =	simm.s32 $0x0  }
0xa: {  	s28 =	sshrl.u32 s4, $0x1;
	p0 =	seq.s32 s7, $0x0;
	[smem:$0x7FF] =	sst s2  }
0xb: {  	s10 =	sshll.u32 s7, $0x4;
	s7 =	sshll.u32 s7, $0x8;
	p0 =	por !p0, !p1  }
0xc: {  	_ =	strace $0x80000047;
	s8 =	sadd.s32 s10, s8;
	p0 =	por !p0, !p0  }
0xd: {  	s10 =	ssub.s32 s4, s28;
	s3 =	sadd.s32 s3, s7;
	s9 =	simm.s32 @!p0 $0x0  }
0xe: {  	s7 =	sadd.s32 $0x400, s8;
	s8 =	smax.u32 s10, $0x1;
	s9 =	ssub.s32 s0, s9  }
0xf: {  	s10 =	simm.s32 $0x400;
	s11 =	sshrl.u32 s9, $0x3;
	s9 =	sshll.u32 s9, $0x7  }
0x10: {  	s29 =	sshll.u32 s11, $0xE;
	s9 =	sand.u32 $0x380, s9;
	s11 =	sshll.u32 s11, $0xA  }
0x11: {  	v2 =	vlaneseq.u32;
	s4 =	sor.u32 s9, s29;
	s9 =	sor.u32 s9, s11;
	s11 =	simm.s32 $0x10000  }
0x12: {  	v2 =	vmul.u32 $0x21, v2;
	s30 =	sshrl.u32 s4, $0x3;
	s4 =	simm.s32 $0x1;
	s31 =	sshrl.u32 s9, $0x3  }
0x13: {  	v0 =	vimm.f32 $0.0e+00;
	v1 =	vimm.f32 $1.000000000e+00;
	s9 =	simm.s32 $0x80;
	s5 =	sadd.s32 s5, s30;
	s6 =	sadd.s32 s6, s31  }
.LBB2_1:
0x14: {  	[tilespmem:s2], [sflag:$0x1] =	stream.linear.gather [hbm4b:s3+s2], $0x10000, $0x38;
	[tilespmem:$0x16580] =	vst v63  }
0x15: {  	_ = 	snop  }
0x16: {  	[tilespmem:s11], [sflag:$0x2] =	stream.strided.gather [hbm4b:s5+s9], $0x800, s10, s9, $0x38;
	[tilespmem:$0x16580] =	vst v63  }
0x17: {  	_ =	swait.ge [sflag:s12], $0x800  }
0x18: {  	[sflag:s12] =	ssyncset.done $0x0  }
0x19: {  	[sflag:s12] =	ssyncadd.s32 $0xFFFFF800  }
0x1a: {  	[tilespmem:s13], [sflag:$0x2] =	stream.linear.gather [hbm4b:s6+s2], $0x80, $0x38;
	[tilespmem:$0x16580] =	vst v63  }
0x1b: {  	_ =	swait.ge [sflag:s12], $0x80  }
0x1c: {  	[sflag:s12] =	ssyncset.done $0x0  }
0x1d: {  	s18 =	simm.s32 $0x11140;
	[sflag:s12] =	ssyncadd.s32 $0xFFFFFF80  }
0x1e: {  	[tilespmem:s18+$0xFFFFFFC0] =	vst v0  }
0x1f: {  	[tilespmem:s18+$0x30] =	vst v0  }
0x20: {  	[tilespmem:s18+$0x20] =	vst v0  }
0x21: {  	[tilespmem:s18+$0x10] =	vst v0  }
0x22: {  	[tilespmem:s18+$0x0] =	vst v0  }
0x23: {  	[tilespmem:s18+$0xFFFFFFF0] =	vst v0  }
0x24: {  	s19 =	simm.s32 $0x0;
	[tilespmem:s18+$0xFFFFFFE0] =	vst v0  }
.LBB2_2:
0x25: {  	s19 =	sadd.s32 $0x8, s19;
	[tilespmem:s18+$0xFFFFFFD0] =	vst v0;
	s18 =	sadd.s32 $0x80, s18  }
0x26: {  	[tilespmem:s18+$0xFFFFFFC0] =	vst v0;
	p0 =	slt.u32 s19, $0x438  }
0x27: {  	[tilespmem:s18+$0x30] =	vst v0  }
.Ltmp0:
0x28: {  	[tilespmem:s18+$0x20] =	vst v0;
	(pc) =	sbr.rel @p0 .LBB2_2-.Ltmp0, $4  }
0x29: {  	[tilespmem:s18+$0x10] =	vst v0  }
0x2a: {  	[tilespmem:s18+$0x0] =	vst v0  }
0x2b: {  	[tilespmem:s18+$0xFFFFFFF0] =	vst v0  }
0x2c: {  	[tilespmem:s18+$0xFFFFFFE0] =	vst v0  }
0x2d: {  	[tilespmem:s18+$0xFFFFFFD0] =	vst v0;
	s18 =	simm.s32 $0x0  }
.LBB2_4:
0x2e: {  	p0 =	sne.s32 s18, $0x40  }
.Ltmp1:
0x2f: {  	_ = 	snop;
	(pc) =	sbr.rel @p0 .LBB2_4-.Ltmp1, $3  }
0x30: {  	_ =	sdelay $0x1  }
0x31: {  	s19 =	sshra.s32 s18, $0x2  }
0x32: {  	s18 =	sadd.s32 $0x40, s18;
	[tilespmem:s19+$0x15500] =	vst v0  }
0x33: {  	s18 =	simm.s32 $0x10020  }
0x34: {  	v3 =	vld [tilespmem:s18+$0xFFFFFFE0]  }
0x35: {  	v5 =	vld [tilespmem:s18+$0x10]  }
0x36: {  	v6 =	vld [tilespmem:s18+$0x0]  }
0x37: {  	v7 =	vld [tilespmem:s18+$0xFFFFFFF0];
	_ =	sdelay $0x1  }
0x38: {  	s19 =	simm.s32 $0x10060;
	vm0 =	veq.s32 v3, $0xFFFFFFFF  }
0x39: {  	s18 =	simm.s32 $0x108A0;
	v4 =	vld [tilespmem:s19+$0xFFFFFFE0];
	vm14 =	veq.s32 v5, $0xFFFFFFFF;
	v8 =	vsel vm0, $0x0, v1  }
0x3a: {  	v3 =	vld [tilespmem:s19+$0x10];
	vm1 =	veq.s32 v6, $0xFFFFFFFF;
	v6 =	vsel vm14, $0x0, v1;
	[tilespmem:s18+$0xFFFFFFE0] =	vst v8  }
0x3b: {  	v5 =	vld [tilespmem:s19+$0x0];
	vm15 =	veq.s32 v7, $0xFFFFFFFF;
	v8 =	vsel vm1, $0x0, v1;
	[tilespmem:s18+$0x10] =	vst v6  }
0x3c: {  	s20 =	simm.s32 $0x4;
	v7 =	vsel vm15, $0x0, v1;
	v6 =	vld [tilespmem:s19+$0xFFFFFFF0];
	[tilespmem:s18+$0x0] =	vst v8  }
.LBB2_6:
0x3d: {  	s20 =	sadd.s32 $0x4, s20  }
0x3e: {  	[tilespmem:s18+$0xFFFFFFF0] =	vst v7;
	s18 =	sadd.s32 $0x40, s18;
	p0 =	slt.u32 s20, $0x7C  }
.Ltmp2:
0x3f: {  	s19 =	sadd.s32 $0x40, s19;
	vm0 =	veq.s32 v4, $0xFFFFFFFF;
	(pc) =	sbr.rel @p0 .LBB2_6-.Ltmp2, $4  }
0x40: {  	v4 =	vld [tilespmem:s19+$0xFFFFFFE0];
	v7 =	vsel vm0, $0x0, v1;
	vm0 =	veq.s32 v3, $0xFFFFFFFF  }
0x41: {  	v3 =	vld [tilespmem:s19+$0x10];
	[tilespmem:s18+$0xFFFFFFE0] =	vst v7;
	vm1 =	veq.s32 v5, $0xFFFFFFFF;
	v7 =	vsel vm0, $0x0, v1  }
0x42: {  	v5 =	vld [tilespmem:s19+$0x0];
	vm0 =	veq.s32 v6, $0xFFFFFFFF;
	v8 =	vsel vm1, $0x0, v1;
	[tilespmem:s18+$0x10] =	vst v7  }
0x43: {  	v6 =	vld [tilespmem:s19+$0xFFFFFFF0];
	v7 =	vsel vm0, $0x0, v1;
	[tilespmem:s18+$0x0] =	vst v8  }
0x44: {  	_ = 	snop  }
0x45: {  	vm0 =	veq.s32 v4, $0xFFFFFFFF  }
0x46: {  	[tilespmem:s18+$0xFFFFFFF0] =	vst v7;
	s31 =	sadd.s32 $0x40, s18;
	v4 =	vsel vm0, $0x0, v1;
	vm13 =	veq.s32 v3, $0xFFFFFFFF  }
0x47: {  	[tilespmem:s31+$0xFFFFFFE0] =	vst v4;
	vm1 =	veq.s32 v5, $0xFFFFFFFF;
	v3 =	vsel vm13, $0x0, v1  }
0x48: {  	vm14 =	veq.s32 v6, $0xFFFFFFFF;
	v63 =	vsel vm1, $0x0, v1;
	[tilespmem:s31+$0x10] =	vst v3  }
0x49: {  	v3 =	vsel vm14, $0x0, v1;
	[tilespmem:s31+$0x0] =	vst v63  }
0x4a: {  	[tilespmem:s31+$0xFFFFFFF0] =	vst v3  }
0x4b: {  	v3 =	vld [tilespmem:$0x10800];
	_ =	sdelay $0x4  }
0x4c: {  	vm15 =	veq.s32 v3, $0xFFFFFFFF  }
0x4d: {  	v3 =	vsel vm15, $0x0, v1  }
0x4e: {  	[tilespmem:$0x11080] =	vst v3  }
0x4f: {  	_ =	swait.ge [sflag:s4], $0x10000  }
0x50: {  	s18 =	simm.s32 $0x0;
	[sflag:s4] =	ssyncset.done $0x0  }
0x51: {  	p0 =	por $0x0, $0x0;
	s19 =	simm.s32 $0x0;
	[sflag:s4] =	ssyncadd.s32 $0xFFFF0000  }
.LBB2_8:
0x52: {  	s20 =	simm.s32 $0x1  }
0x53: {  	s21 =	sshll.u32 s18, $0x2;
	s20 =	simm.s32 @!p0 $0x0  }
0x54: {  	s21 =	sand.u32 $0xFFFFF000, s21;
	s20 =	sshll.u32 s20, $0x8  }
0x55: {  	s20 =	sor.u32 s20, s21  }
0x56: {  	s20 =	sshrl.u32 s20, $0x2  }
0x57: {  	s20 =	sor.u32 $0x200, s20  }
0x58: {  	v3 =	vld [tilespmem:s20+$0x180];
	_ =	sdelay $0x2  }
0x59: {  	v4 =	vld [tilespmem:s20+$0x0];
	_ =	sdelay $0x1  }
0x5a: {  	v5 =	vld [tilespmem:s20+$0xFFFFFF80];
	v3 =	vadd.f32 $1.000010010e+00, v3;
	_ =	sdelay $0x1  }
0x5b: {  	v3 =	vmul.f32 $1.400000000e+01, v3  }
0x5c: {  	v8 =	vld [tilespmem:s20+$0xFFFFFE00];
	v4 =	vadd.f32 $1.000010010e+00, v4  }
0x5d: {  	s23 =	sshll.u32 s19, $0x6;
	v6 =	vld [tilespmem:s20+$0x100];
	v3 =	vtrunc.f32 v3  }
0x5e: {  	s22 =	simm.s32 $0xEE7;
	v14 =	vld [tilespmem:s23+$0x10880];
	s21 =	sand.u32 $0x7C0, s23;
	v7 =	vadd.f32 $1.000010010e+00, v5;
	v4 =	vmul.f32 $1.400000000e+01, v4;
	v3 =	vcvt.f32.s32 v3  }
0x5f: {  	s21 =	sadd.s32 $0x10880, s21;
	v9 =	vld [tilespmem:s20+$0x80];
	v5 =	vadd.s32 s22, v2  }
0x60: {  	v13 =	vld [tilespmem:s21+$0x10];
	v4 =	vtrunc.f32 v4;
	v10 =	vadd.s32 v3, v5;
	v3 =	vmul.f32 $1.400000000e+01, v7  }
0x61: {  	s24 =	simm.s32 $0x884;
	v11 =	vld [tilespmem:s20+$0xFFFFFE80];
	v8 =	vadd.f32 $1.000010010e+00, v8;
	v12 =	vcvt.f32.s32 v4  }
0x62: {  	v15 =	vld [tilespmem:s20+$0xFFFFFF00];
	v6 =	vadd.f32 $1.000010010e+00, v6;
	v7 =	vadd.s32 s24, v2;
	v3 =	vtrunc.f32 v3  }
0x63: {  	s25 =	simm.s32 $0x663;
	v8 =	vmul.f32 $1.400000000e+01, v8;
	v4 =	vld [tilespmem:s21+$0x20];
	v12 =	vadd.s32 v12, v7;
	v16 =	vcvt.f32.s32 v3  }
0x64: {  	v9 =	vadd.f32 $1.000010010e+00, v9;
	v17 =	vmul.f32 $1.400000000e+01, v6;
	v6 =	vadd.s32 s25, v2;
	v3 =	vld [tilespmem:s21+$0x30]  }
0x65: {  	v8 =	vtrunc.f32 v8;
	[tilespmem:v10+s14+$0x0] =	vst.idx.add.f32.msk $0xffff, v14;
	v10 =	vadd.s32 v16, v6  }
0x66: {  	v16 =	vtrunc.f32 v17;
	v17 =	vmul.f32 $1.400000000e+01, v9;
	v9 =	vadd.f32 $1.000010010e+00, v11  }
0x67: {  	s28 =	simm.s32 $0x0;
	v15 =	vadd.f32 $1.000010010e+00, v15;
	v8 =	vcvt.f32.s32 v8;
	v11 =	vld [tilespmem:s20+$0x190]  }
0x68: {  	s26 =	simm.s32 $0xCC6;
	v16 =	vcvt.f32.s32 v16;
	[tilespmem:v12+s14+$0x0] =	vst.idx.add.f32.msk $0xffff, v14;
	v12 =	vadd.s32 s28, v2;
	v18 =	vmul.f32 $1.400000000e+01, v9  }
0x69: {  	v15 =	vmul.f32 $1.400000000e+01, v15;
	v9 =	vadd.s32 s26, v2;
	v19 =	vld [tilespmem:s20+$0x10];
	v20 =	vadd.s32 v8, v12  }
0x6a: {  	v8 =	vtrunc.f32 v17;
	v16 =	vadd.s32 v16, v9;
	v18 =	vtrunc.f32 v18;
	[tilespmem:v10+s14+$0x0] =	vst.idx.add.f32.msk $0xffff, v14  }
0x6b: {  	s29 =	simm.s32 $0x221;
	v21 =	vcvt.f32.s32 v8;
	v10 =	vcvt.f32.s32 v18;
	v18 =	vld [tilespmem:s20+$0xFFFFFF90]  }
0x6c: {  	v8 =	vadd.s32 s29, v2;
	v17 =	vadd.f32 $1.000010010e+00, v11;
	v11 =	vtrunc.f32 v15  }
0x6d: {  	s30 =	simm.s32 $0xAA5;
	s31 =	simm.s32 $0x442;
	v15 =	vadd.s32 v10, v8;
	v22 =	vcvt.f32.s32 v11  }
0x6e: {  	v11 =	vadd.s32 s30, v2;
	v10 =	vadd.s32 s31, v2  }
0x6f: {  	v19 =	vadd.f32 $1.000010010e+00, v19;
	v17 =	vmul.f32 $1.400000000e+01, v17;
	[tilespmem:v16+s14+$0x0] =	vst.idx.add.f32.msk $0xffff, v14;
	v16 =	vadd.s32 v22, v10  }
0x70: {  	[tilespmem:v20+s14+$0x0] =	vst.idx.add.f32.msk $0xffff, v14;
	v21 =	vadd.s32 v21, v11;
	v18 =	vadd.f32 $1.000010010e+00, v18  }
0x71: {  	v20 =	vld [tilespmem:s20+$0xFFFFFE10];
	v19 =	vmul.f32 $1.400000000e+01, v19;
	v17 =	vtrunc.f32 v17  }
0x72: {  	v17 =	vcvt.f32.s32 v17;
	[tilespmem:v15+s14+$0x0] =	vst.idx.add.f32.msk $0xffff, v14;
	v15 =	vmul.f32 $1.400000000e+01, v18  }
0x73: {  	v22 =	vld [tilespmem:s20+$0x110];
	v18 =	vtrunc.f32 v19  }
0x74: {  	[tilespmem:v16+s14+$0x0] =	vst.idx.add.f32.msk $0xffff, v14;
	v16 =	vadd.s32 v17, v5;
	v17 =	vcvt.f32.s32 v18;
	v15 =	vtrunc.f32 v15  }
0x75: {  	[tilespmem:v21+s14+$0x0] =	vst.idx.add.f32.msk $0xffff, v14;
	v15 =	vcvt.f32.s32 v15  }
0x76: {  	v18 =	vld [tilespmem:s20+$0xFFFFFE90];
	v17 =	vadd.s32 v17, v7  }
0x77: {  	v19 =	vld [tilespmem:s20+$0xFFFFFF10];
	v15 =	vadd.s32 v15, v6  }
0x78: {  	v21 =	vadd.f32 $1.000010010e+00, v22;
	v22 =	vld [tilespmem:s20+$0x90]  }
0x79: {  	[tilespmem:v16+s14+$0x0] =	vst.idx.add.f32.msk $0xffff, v13  }
0x7a: {  	v16 =	vmul.f32 $1.400000000e+01, v21;
	v21 =	vld [tilespmem:s20+$0x1A0]  }
0x7b: {  	[tilespmem:v17+s14+$0x0] =	vst.idx.add.f32.msk $0xffff, v13  }
0x7c: {  	v17 =	vadd.f32 $1.000010010e+00, v19;
	v16 =	vtrunc.f32 v16;
	[tilespmem:v15+s14+$0x0] =	vst.idx.add.f32.msk $0xffff, v13  }
0x7d: {  	v20 =	vadd.f32 $1.000010010e+00, v20;
	v22 =	vadd.f32 $1.000010010e+00, v22;
	v15 =	vcvt.f32.s32 v16;
	v16 =	vld [tilespmem:s20+$0x20]  }
0x7e: {  	v18 =	vadd.f32 $1.000010010e+00, v18;
	v17 =	vmul.f32 $1.400000000e+01, v17  }
0x7f: {  	s22 =	sadd.s32 $0x4000, s20;
	v20 =	vmul.f32 $1.400000000e+01, v20;
	v22 =	vmul.f32 $1.400000000e+01, v22;
	v19 =	vld [tilespmem:s20+$0xFFFFFFA0];
	v15 =	vadd.s32 v15, v9  }
0x80: {  	v23 =	vld [tilespmem:s22+$0x180];
	v18 =	vmul.f32 $1.400000000e+01, v18;
	v17 =	vtrunc.f32 v17  }
0x81: {  	v24 =	vld [tilespmem:s22+$0xFFFFFE80];
	v22 =	vtrunc.f32 v22;
	v21 =	vadd.f32 $1.000010010e+00, v21;
	v17 =	vcvt.f32.s32 v17  }
0x82: {  	v25 =	vld [tilespmem:s22+$0x100];
	v18 =	vtrunc.f32 v18;
	v29 =	vcvt.f32.s32 v22;
	v16 =	vadd.f32 $1.000010010e+00, v16  }
0x83: {  	v26 =	vld [tilespmem:s22+$0xFFFFFF00];
	v18 =	vcvt.f32.s32 v18;
	v21 =	vmul.f32 $1.400000000e+01, v21;
	v17 =	vadd.s32 v17, v10  }
0x84: {  	v19 =	vadd.f32 $1.000010010e+00, v19;
	v16 =	vmul.f32 $1.400000000e+01, v16;
	[tilespmem:v15+s14+$0x0] =	vst.idx.add.f32.msk $0xffff, v13;
	v15 =	vtrunc.f32 v20  }
0x85: {  	v27 =	vld [tilespmem:s22+$0x0];
	v21 =	vtrunc.f32 v21;
	v20 =	vadd.f32 $1.000010010e+00, v23;
	v15 =	vcvt.f32.s32 v15  }
0x86: {  	v23 =	vld [tilespmem:s22+$0x80];
	v19 =	vmul.f32 $1.400000000e+01, v19;
	v16 =	vtrunc.f32 v16  }
0x87: {  	v33 =	vld [tilespmem:s22+$0xFFFFFE00];
	v20 =	vmul.f32 $1.400000000e+01, v20;
	v28 =	vadd.s32 v15, v12;
	v15 =	vcvt.f32.s32 v21  }
0x88: {  	v22 =	vld [tilespmem:s22+$0xFFFFFF80];
	v30 =	vtrunc.f32 v19;
	v16 =	vcvt.f32.s32 v16  }
0x89: {  	[tilespmem:v17+s14+$0x0] =	vst.idx.add.f32.msk $0xffff, v13;
	v17 =	vtrunc.f32 v20;
	v20 =	vadd.f32 $1.000010010e+00, v25;
	v25 =	vadd.s32 v15, v5  }
0x8a: {  	s23 =	simm.s32 $0x1FEF;
	v32 =	vld [tilespmem:s20+$0x120];
	v19 =	vadd.s32 v18, v8;
	v17 =	vcvt.f32.s32 v17;
	v31 =	vadd.s32 v16, v7  }
0x8b: {  	v21 =	vld [tilespmem:s20+$0xFFFFFF20];
	v15 =	vadd.s32 s23, v2;
	v18 =	vadd.f32 $1.000010010e+00, v23;
	v16 =	vmul.f32 $1.400000000e+01, v20  }
0x8c: {  	v23 =	vadd.f32 $1.000010010e+00, v27;
	v20 =	vcvt.f32.s32 v30;
	v17 =	vadd.s32 v17, v15;
	[tilespmem:v28+s14+$0x0] =	vst.idx.add.f32.msk $0xffff, v13  }
0x8d: {  	v28 =	vtrunc.f32 v16;
	v16 =	vadd.f32 $1.000010010e+00, v22;
	v22 =	vmul.f32 $1.400000000e+01, v18;
	v18 =	vld [tilespmem:s20+$0xFFFFFE20]  }
0x8e: {  	v26 =	vadd.f32 $1.000010010e+00, v26;
	v24 =	vadd.f32 $1.000010010e+00, v24;
	v34 =	vmul.f32 $1.400000000e+01, v23;
	[tilespmem:v25+s14+$0x0] =	vst.idx.add.f32.msk $0xffff, v4  }
0x8f: {  	v29 =	vadd.s32 v29, v11;
	v27 =	vadd.s32 v20, v6;
	v20 =	vcvt.f32.s32 v28;
	[tilespmem:v31+s14+$0x0] =	vst.idx.add.f32.msk $0xffff, v4  }
0x90: {  	v30 =	vadd.f32 $1.000010010e+00, v33;
	v63 =	vtrunc.f32 v34;
	v16 =	vmul.f32 $1.400000000e+01, v16;
	v23 =	vld [tilespmem:s20+$0x1B0]  }
0x91: {  	s25 =	simm.s32 $0x198C;
	s24 =	simm.s32 $0x8;
	s21 =	smov.u32 s22;
	v28 =	vadd.f32 $1.000010010e+00, v32;
	v25 =	vmul.f32 $1.400000000e+01, v24;
	v31 =	vcvt.f32.s32 v63;
	v24 =	vld [tilespmem:s20+$0x30]  }
.LBB2_9:
0x92: {  	s24 =	sadd.s32 $0x8, s24;
	v26 =	vmul.f32 $1.400000000e+01, v26;
	v16 =	vtrunc.f32 v16;
	v32 =	vadd.s32 s25, v2;
	[tilespmem:v17+s14+$0x0] =	vst.idx.add.f32.msk $0xffff, v14  }
0x93: {  	v30 =	vmul.f32 $1.400000000e+01, v30;
	s25 =	sadd.s32 $0xFFFFFDDF, s23;
	v34 =	vadd.f32 $1.000010010e+00, v18;
	p1 =	slt.u32 s24, $0x18;
	v31 =	vadd.s32 v31, v32;
	v33 =	vld [tilespmem:s22+$0x190]  }
0x94: {  	s26 =	sadd.s32 $0xFFFFF77C, s23;
	v16 =	vcvt.f32.s32 v16;
	v17 =	vadd.s32 s25, v2;
	[tilespmem:v27+s14+$0x0] =	vst.idx.add.f32.msk $0xffff, v4;
	v27 =	vmul.f32 $1.400000000e+01, v28  }
0x95: {  	v18 =	vadd.s32 s26, v2;
	v28 =	vtrunc.f32 v30;
	v30 =	vadd.s32 v20, v17;
	[tilespmem:v19+s14+$0x0] =	vst.idx.add.f32.msk $0xffff, v13  }
0x96: {  	s25 =	sadd.s32 $0xFFFFF119, s23;
	v19 =	vcvt.f32.s32 v28;
	v16 =	vadd.s32 v16, v18;
	v28 =	vmul.f32 $1.400000000e+01, v34;
	[tilespmem:v29+s14+$0x0] =	vst.idx.add.f32.msk $0xffff, v13  }
0x97: {  	v21 =	vadd.f32 $1.000010010e+00, v21;
	v25 =	vtrunc.f32 v25;
	v20 =	vadd.s32 s25, v2;
	v29 =	vld [tilespmem:s20+$0xA0]  }
0x98: {  	v22 =	vtrunc.f32 v22;
	v19 =	vadd.s32 v19, v20;
	v28 =	vtrunc.f32 v28;
	v34 =	vld [tilespmem:s20+$0xFFFFFEA0]  }
0x99: {  	v25 =	vcvt.f32.s32 v25;
	v27 =	vtrunc.f32 v27;
	v33 =	vadd.f32 $1.000010010e+00, v33;
	v35 =	vld [tilespmem:s20+$0xFFFFFFB0]  }
0x9a: {  	v22 =	vcvt.f32.s32 v22;
	v23 =	vadd.f32 $1.000010010e+00, v23;
	v28 =	vcvt.f32.s32 v28;
	[tilespmem:v31+s14+$0x0] =	vst.idx.add.f32.msk $0xffff, v14  }
0x9b: {  	v21 =	vmul.f32 $1.400000000e+01, v21;
	v24 =	vadd.f32 $1.000010010e+00, v24;
	v33 =	vmul.f32 $1.400000000e+01, v33;
	v31 =	vld [tilespmem:s22+$0x10]  }
0x9c: {  	v28 =	vadd.s32 v28, v12;
	[tilespmem:v16+s14+$0x0] =	vst.idx.add.f32.msk $0xffff, v14;
	v29 =	vadd.f32 $1.000010010e+00, v29;
	v16 =	vcvt.f32.s32 v27  }
0x9d: {  	v26 =	vtrunc.f32 v26;
	v21 =	vtrunc.f32 v21;
	[tilespmem:v30+s14+$0x0] =	vst.idx.add.f32.msk $0xffff, v14;
	v27 =	vadd.f32 $1.000010010e+00, v34  }
0x9e: {  	s25 =	sadd.s32 $0xFFFFF33A, s23;
	v24 =	vmul.f32 $1.400000000e+01, v24;
	v30 =	vld [tilespmem:s22+$0x110];
	v34 =	vadd.f32 $1.000010010e+00, v35;
	v35 =	vadd.s32 v16, v9  }
0x9f: {  	v21 =	vcvt.f32.s32 v21;
	s22 =	sadd.s32 $0x4000, s22;
	[tilespmem:v19+s14+$0x0] =	vst.idx.add.f32.msk $0xffff, v14;
	v19 =	vadd.s32 s25, v2;
	v27 =	vmul.f32 $1.400000000e+01, v27  }
0xa0: {  	v29 =	vmul.f32 $1.400000000e+01, v29;
	v16 =	vld [tilespmem:s22+$0xFFFFFE80];
	v25 =	vadd.s32 v25, v19;
	v34 =	vmul.f32 $1.400000000e+01, v34  }
0xa1: {  	v26 =	vcvt.f32.s32 v26;
	v37 =	vadd.s32 v21, v10;
	s25 =	sadd.s32 $0xFFFFF55B, s23;
	v36 =	vld [tilespmem:s21+$0xFFFFFF90];
	v27 =	vtrunc.f32 v27  }
0xa2: {  	v24 =	vtrunc.f32 v24;
	v33 =	vtrunc.f32 v33;
	v21 =	vadd.s32 s25, v2;
	s25 =	sadd.s32 $0xFFFFFBBE, s23;
	[tilespmem:v28+s14+$0x0] =	vst.idx.add.f32.msk $0xffff, v4  }
0xa3: {  	v26 =	vadd.s32 v26, v21;
	v28 =	vadd.s32 s25, v2;
	v34 =	vtrunc.f32 v34;
	v38 =	vld [tilespmem:s20+$0xFFFFFE30]  }
0xa4: {  	v33 =	vcvt.f32.s32 v33;
	v29 =	vtrunc.f32 v29;
	v22 =	vadd.s32 v22, v28;
	[tilespmem:v35+s14+$0x0] =	vst.idx.add.f32.msk $0xffff, v4  }
0xa5: {  	v23 =	vmul.f32 $1.400000000e+01, v23;
	[tilespmem:v25+s14+$0x0] =	vst.idx.add.f32.msk $0xffff, v14;
	v25 =	vcvt.f32.s32 v29  }
0xa6: {  	v24 =	vcvt.f32.s32 v24;
	v27 =	vcvt.f32.s32 v27;
	[tilespmem:v37+s14+$0x0] =	vst.idx.add.f32.msk $0xffff, v4  }
0xa7: {  	v23 =	vtrunc.f32 v23;
	v29 =	vld [tilespmem:s20+$0xFFFFFF30];
	v25 =	vadd.s32 v25, v11  }
0xa8: {  	v23 =	vcvt.f32.s32 v23;
	v31 =	vadd.f32 $1.000010010e+00, v31;
	v27 =	vadd.s32 v27, v8;
	v35 =	vld [tilespmem:s20+$0x130]  }
0xa9: {  	v24 =	vadd.s32 v24, v7;
	v7 =	vmovc v32;
	v36 =	vadd.f32 $1.000010010e+00, v36;
	[tilespmem:v22+s14+$0x0] =	vst.idx.add.f32.msk $0xffff, v14;
	v22 =	vadd.f32 $1.000010010e+00, v38  }
0xaa: {  	[tilespmem:v26+s14+$0x0] =	vst.idx.add.f32.msk $0xffff, v14;
	v26 =	vmul.f32 $1.400000000e+01, v31  }
0xab: {  	v32 =	vmul.f32 $1.400000000e+01, v36;
	v31 =	vld [tilespmem:s21+$0xFFFFFE90];
	v22 =	vmul.f32 $1.400000000e+01, v22  }
0xac: {  	v34 =	vcvt.f32.s32 v34;
	v36 =	vld [tilespmem:s21+$0xFFFFFF10];
	v26 =	vtrunc.f32 v26;
	v29 =	vadd.f32 $1.000010010e+00, v29  }
0xad: {  	v33 =	vadd.s32 v33, v15;
	v32 =	vtrunc.f32 v32;
	[tilespmem:v27+s14+$0x0] =	vst.idx.add.f32.msk $0xffff, v4;
	v27 =	vadd.f32 $1.000010010e+00, v35  }
0xae: {  	v32 =	vcvt.f32.s32 v32;
	v29 =	vmul.f32 $1.400000000e+01, v29;
	[tilespmem:v25+s14+$0x0] =	vst.idx.add.f32.msk $0xffff, v4  }
0xaf: {  	v25 =	vcvt.f32.s32 v26;
	v26 =	vld [tilespmem:s20+$0xB0];
	v27 =	vmul.f32 $1.400000000e+01, v27  }
0xb0: {  	v22 =	vtrunc.f32 v22;
	v35 =	vld [tilespmem:s21+$0xFFFFFE10];
	v29 =	vtrunc.f32 v29  }
0xb1: {  	v30 =	vadd.f32 $1.000010010e+00, v30;
	v32 =	vadd.s32 v32, v18;
	v25 =	vadd.s32 v25, v7;
	v37 =	vld [tilespmem:s20+$0xFFFFFEB0];
	s20 =	smov.u32 s21;
	s21 =	smov.u32 s22  }
0xb2: {  	v23 =	vadd.s32 v23, v5;
	v5 =	vmovc v15;
	v22 =	vcvt.f32.s32 v22;
	v27 =	vtrunc.f32 v27;
	v38 =	vld [tilespmem:s20+$0x90]  }
0xb3: {  	v15 =	vmul.f32 $1.400000000e+01, v30;
	[tilespmem:v33+s14+$0x0] =	vst.idx.add.f32.msk $0xffff, v13  }
0xb4: {  	v30 =	vadd.f32 $1.000010010e+00, v36;
	v27 =	vcvt.f32.s32 v27;
	v33 =	vld [tilespmem:s20+$0x1A0];
	v26 =	vadd.f32 $1.000010010e+00, v26  }
0xb5: {  	v34 =	vadd.s32 v34, v6;
	v15 =	vtrunc.f32 v15;
	v22 =	vadd.s32 v22, v12;
	[tilespmem:v24+s14+$0x0] =	vst.idx.add.f32.msk $0xffff, v3  }
0xb6: {  	v6 =	vmovc v18;
	v15 =	vcvt.f32.s32 v15;
	v12 =	vmovc v20;
	v24 =	vadd.f32 $1.000010010e+00, v35;
	[tilespmem:v25+s14+$0x0] =	vst.idx.add.f32.msk $0xffff, v13;
	v25 =	vmul.f32 $1.400000000e+01, v26  }
0xb7: {  	v18 =	vadd.f32 $1.000010010e+00, v31;
	v20 =	vadd.f32 $1.000010010e+00, v37;
	v26 =	vadd.s32 v27, v9;
	v9 =	vmovc v17;
	[tilespmem:v32+s14+$0x0] =	vst.idx.add.f32.msk $0xffff, v13  }
0xb8: {  	v17 =	vmul.f32 $1.400000000e+01, v30;
	v15 =	vadd.s32 v15, v9;
	v27 =	vld [tilespmem:s20+$0xFFFFFFA0];
	v25 =	vtrunc.f32 v25  }
0xb9: {  	v18 =	vmul.f32 $1.400000000e+01, v18;
	v31 =	vadd.f32 $1.000010010e+00, v38;
	v30 =	vld [tilespmem:s20+$0x20];
	v25 =	vcvt.f32.s32 v25  }
0xba: {  	v29 =	vcvt.f32.s32 v29;
	v20 =	vmul.f32 $1.400000000e+01, v20;
	v32 =	vadd.f32 $1.000010010e+00, v33;
	[tilespmem:v34+s14+$0x0] =	vst.idx.add.f32.msk $0xffff, v3  }
0xbb: {  	v17 =	vtrunc.f32 v17;
	v31 =	vmul.f32 $1.400000000e+01, v31;
	v25 =	vadd.s32 v25, v11;
	[tilespmem:v23+s14+$0x0] =	vst.idx.add.f32.msk $0xffff, v3;
	v11 =	vmovc v28  }
0xbc: {  	v17 =	vcvt.f32.s32 v17;
	v20 =	vtrunc.f32 v20;
	v28 =	vadd.s32 v29, v10;
	v10 =	vmovc v21;
	v23 =	vld [tilespmem:s22+$0x100]  }
0xbd: {  	v21 =	vmul.f32 $1.400000000e+01, v32;
	v20 =	vcvt.f32.s32 v20;
	[tilespmem:v26+s14+$0x0] =	vst.idx.add.f32.msk $0xffff, v3  }
0xbe: {  	v18 =	vtrunc.f32 v18;
	v26 =	vld [tilespmem:s22+$0x180];
	v29 =	vadd.f32 $1.000010010e+00, v30  }
0xbf: {  	v27 =	vadd.f32 $1.000010010e+00, v27;
	v20 =	vadd.s32 v20, v8;
	v8 =	vmovc v19;
	v30 =	vtrunc.f32 v31;
	[tilespmem:v22+s14+$0x0] =	vst.idx.add.f32.msk $0xffff, v3  }
0xc0: {  	v19 =	vmul.f32 $1.400000000e+01, v29;
	v29 =	vcvt.f32.s32 v30;
	[tilespmem:v25+s14+$0x0] =	vst.idx.add.f32.msk $0xffff, v3  }
0xc1: {  	v18 =	vcvt.f32.s32 v18;
	v22 =	vmul.f32 $1.400000000e+01, v27;
	[tilespmem:v28+s14+$0x0] =	vst.idx.add.f32.msk $0xffff, v3  }
0xc2: {  	v24 =	vmul.f32 $1.400000000e+01, v24;
	v25 =	vld [tilespmem:s22+$0xFFFFFF00];
	v27 =	vtrunc.f32 v19  }
0xc3: {  	v17 =	vadd.s32 v17, v10;
	v22 =	vtrunc.f32 v22;
	v26 =	vadd.f32 $1.000010010e+00, v26;
	[tilespmem:v15+s14+$0x0] =	vst.idx.add.f32.msk $0xffff, v13  }
0xc4: {  	v19 =	vadd.s32 v18, v8;
	v15 =	vtrunc.f32 v24;
	v24 =	vcvt.f32.s32 v22;
	[tilespmem:v20+s14+$0x0] =	vst.idx.add.f32.msk $0xffff, v3  }
0xc5: {  	v15 =	vcvt.f32.s32 v15;
	v18 =	vld [tilespmem:s22+$0xFFFFFF80];
	v20 =	vmul.f32 $1.400000000e+01, v26  }
0xc6: {  	v21 =	vtrunc.f32 v21;
	v26 =	vcvt.f32.s32 v27;
	v22 =	vld [tilespmem:s22+$0x80]  }
0xc7: {  	v30 =	vcvt.f32.s32 v21;
	v28 =	vadd.s32 v15, v12;
	v27 =	vld [tilespmem:s22+$0x0];
	v20 =	vtrunc.f32 v20  }
0xc8: {  	s23 =	sadd.s32 $0x1108, s23;
	v23 =	vadd.f32 $1.000010010e+00, v23;
	v31 =	vadd.s32 v26, v7;
	v20 =	vcvt.f32.s32 v20;
	[tilespmem:v17+s14+$0x0] =	vst.idx.add.f32.msk $0xffff, v13  }
0xc9: {  	v30 =	vadd.s32 v30, v5;
	v15 =	vadd.s32 s23, v2;
	v21 =	vld [tilespmem:s20+$0xFFFFFF20]  }
0xca: {  	v23 =	vmul.f32 $1.400000000e+01, v23;
	v17 =	vadd.s32 v20, v15;
	v32 =	vld [tilespmem:s20+$0x120]  }
0xcb: {  	v33 =	vld [tilespmem:s22+$0xFFFFFE00];
	v20 =	vadd.f32 $1.000010010e+00, v22  }
0xcc: {  	v23 =	vtrunc.f32 v23;
	v27 =	vadd.f32 $1.000010010e+00, v27;
	[tilespmem:v28+s14+$0x0] =	vst.idx.add.f32.msk $0xffff, v13  }
.Ltmp3:
0xcd: {  	v28 =	vadd.f32 $1.000010010e+00, v18;
	v22 =	vmul.f32 $1.400000000e+01, v20;
	v18 =	vld [tilespmem:s20+$0xFFFFFE20];
	(pc) =	sbr.rel @p1 .LBB2_9-.Ltmp3, $4  }
0xce: {  	v26 =	vadd.f32 $1.000010010e+00, v25;
	v25 =	vmul.f32 $1.400000000e+01, v27;
	v27 =	vadd.s32 v24, v6;
	[tilespmem:v30+s14+$0x0] =	vst.idx.add.f32.msk $0xffff, v4  }
0xcf: {  	v20 =	vcvt.f32.s32 v23;
	v24 =	vadd.f32 $1.000010010e+00, v16;
	v16 =	vmul.f32 $1.400000000e+01, v28;
	v23 =	vld [tilespmem:s20+$0x1B0]  }
0xd0: {  	v28 =	vadd.f32 $1.000010010e+00, v32;
	v30 =	vadd.f32 $1.000010010e+00, v33;
	v33 =	vtrunc.f32 v25;
	[tilespmem:v31+s14+$0x0] =	vst.idx.add.f32.msk $0xffff, v4  }
0xd1: {  	s25 =	sadd.s32 $0xFFFFF99D, s23;
	v29 =	vadd.s32 v29, v11;
	v25 =	vmul.f32 $1.400000000e+01, v24;
	v31 =	vcvt.f32.s32 v33;
	v24 =	vld [tilespmem:s20+$0x30]  }
0xd2: {  	_ =	sdelay $0x3  }
0xd3: {  	[tilespmem:v17+s14+$0x0] =	vst.idx.add.f32.msk $0xffff, v14  }
0xd4: {  	v16 =	vtrunc.f32 v16;
	[tilespmem:v27+s14+$0x0] =	vst.idx.add.f32.msk $0xffff, v4  }
0xd5: {  	v17 =	vadd.s32 s25, v2;
	v30 =	vmul.f32 $1.400000000e+01, v30;
	v36 =	vadd.f32 $1.000010010e+00, v18;
	[tilespmem:v19+s14+$0x0] =	vst.idx.add.f32.msk $0xffff, v13  }
0xd6: {  	s24 =	sadd.s32 $0xFFFFFDDF, s23;
	[tilespmem:v29+s14+$0x0] =	vst.idx.add.f32.msk $0xffff, v13;
	v26 =	vmul.f32 $1.400000000e+01, v26;
	v28 =	vmul.f32 $1.400000000e+01, v28;
	v63 =	vadd.s32 v31, v17  }
0xd7: {  	s26 =	sadd.s32 $0xFFFFF77C, s23;
	v21 =	vadd.f32 $1.000010010e+00, v21;
	v32 =	vld [tilespmem:s22+$0x190];
	v33 =	vcvt.f32.s32 v16;
	v16 =	vadd.s32 s24, v2  }
0xd8: {  	v22 =	vtrunc.f32 v22;
	v18 =	vadd.s32 s26, v2;
	v40 =	vld [tilespmem:s20+$0xA0];
	v20 =	vadd.s32 v20, v16  }
0xd9: {  	v34 =	vld [tilespmem:s20+$0xFFFFFEA0];
	v37 =	vtrunc.f32 v30;
	v28 =	vtrunc.f32 v28;
	v38 =	vadd.s32 v33, v18  }
0xda: {  	s28 =	sadd.s32 $0xFFFFF119, s23;
	v35 =	vld [tilespmem:s20+$0xFFFFFFB0];
	v21 =	vmul.f32 $1.400000000e+01, v21;
	v41 =	vcvt.f32.s32 v37  }
0xdb: {  	v19 =	vadd.s32 s28, v2;
	v46 =	vtrunc.f32 v26;
	v28 =	vcvt.f32.s32 v28;
	[tilespmem:v63+s14+$0x0] =	vst.idx.add.f32.msk $0xffff, v14  }
0xdc: {  	s30 =	sadd.s32 $0xFFFFF55B, s23;
	v45 =	vcvt.f32.s32 v22;
	v22 =	vcvt.f32.s32 v46;
	v33 =	vadd.s32 v41, v19;
	v43 =	vld [tilespmem:s22+$0x10]  }
0xdd: {  	v49 =	vtrunc.f32 v21;
	v21 =	vadd.s32 s30, v2;
	v28 =	vadd.s32 v28, v9;
	[tilespmem:v20+s14+$0x0] =	vst.idx.add.f32.msk $0xffff, v14  }
0xde: {  	v50 =	vadd.s32 v22, v21;
	[tilespmem:v38+s14+$0x0] =	vst.idx.add.f32.msk $0xffff, v14  }
0xdf: {  	s31 =	sadd.s32 $0xFFFFFBBE, s23;
	v25 =	vtrunc.f32 v25;
	v39 =	vmul.f32 $1.400000000e+01, v36;
	v47 =	vld [tilespmem:s22+$0x110]  }
0xe0: {  	v25 =	vcvt.f32.s32 v25;
	v22 =	vadd.s32 s31, v2;
	v36 =	vld [tilespmem:s21+$0xFFFFFF90]  }
0xe1: {  	s29 =	sadd.s32 $0xFFFFF33A, s23;
	v30 =	vtrunc.f32 v39;
	v44 =	vadd.f32 $1.000010010e+00, v32;
	v32 =	vadd.s32 v45, v22;
	[tilespmem:v33+s14+$0x0] =	vst.idx.add.f32.msk $0xffff, v14  }
0xe2: {  	v42 =	vcvt.f32.s32 v30;
	v20 =	vadd.s32 s29, v2;
	[tilespmem:v28+s14+$0x0] =	vst.idx.add.f32.msk $0xffff, v4  }
0xe3: {  	v25 =	vadd.s32 v25, v20;
	[tilespmem:v50+s14+$0x0] =	vst.idx.add.f32.msk $0xffff, v14  }
0xe4: {  	v48 =	vadd.f32 $1.000010010e+00, v34;
	v27 =	vadd.s32 v42, v12;
	v29 =	vmul.f32 $1.400000000e+01, v44;
	v57 =	vld [tilespmem:s21+$0xFFFFFE10]  }
0xe5: {  	v34 =	vcvt.f32.s32 v49;
	v60 =	vld [tilespmem:s21+$0xFFFFFF10]  }
0xe6: {  	v33 =	vmul.f32 $1.400000000e+01, v48;
	v29 =	vtrunc.f32 v29;
	[tilespmem:v32+s14+$0x0] =	vst.idx.add.f32.msk $0xffff, v14;
	v54 =	vadd.f32 $1.000010010e+00, v43  }
0xe7: {  	v23 =	vadd.f32 $1.000010010e+00, v23;
	v34 =	vadd.s32 v34, v10;
	v29 =	vcvt.f32.s32 v29;
	v63 =	vld [tilespmem:s20+$0x130]  }
0xe8: {  	v55 =	vtrunc.f32 v33;
	[tilespmem:v25+s14+$0x0] =	vst.idx.add.f32.msk $0xffff, v14;
	v26 =	vadd.f32 $1.000010010e+00, v47;
	v25 =	vmul.f32 $1.400000000e+01, v54  }
0xe9: {  	v24 =	vadd.f32 $1.000010010e+00, v24;
	[tilespmem:v27+s14+$0x0] =	vst.idx.add.f32.msk $0xffff, v4;
	v58 =	vcvt.f32.s32 v55;
	v56 =	vadd.f32 $1.000010010e+00, v36  }
0xea: {  	v32 =	vld [tilespmem:s21+$0x90];
	v61 =	vadd.s32 v29, v15;
	v26 =	vmul.f32 $1.400000000e+01, v26;
	v25 =	vtrunc.f32 v25  }
0xeb: {  	v51 =	vadd.f32 $1.000010010e+00, v40;
	v52 =	vld [tilespmem:s20+$0xFFFFFE30];
	v59 =	vmul.f32 $1.400000000e+01, v56;
	v25 =	vcvt.f32.s32 v25  }
0xec: {  	v37 =	vld [tilespmem:s21+$0xFFFFFE90];
	v27 =	vadd.s32 v58, v8;
	v62 =	vadd.f32 $1.000010010e+00, v57;
	v26 =	vtrunc.f32 v26  }
0xed: {  	[tilespmem:v34+s14+$0x0] =	vst.idx.add.f32.msk $0xffff, v4;
	v30 =	vtrunc.f32 v59;
	v26 =	vcvt.f32.s32 v26;
	v25 =	vadd.s32 v25, v17  }
0xee: {  	v34 =	vld [tilespmem:s20+$0xFFFFFF30];
	v33 =	vadd.f32 $1.000010010e+00, v60;
	v29 =	vmul.f32 $1.400000000e+01, v62;
	v30 =	vcvt.f32.s32 v30  }
0xef: {  	v23 =	vmul.f32 $1.400000000e+01, v23;
	v53 =	vmul.f32 $1.400000000e+01, v51;
	[tilespmem:v61+s14+$0x0] =	vst.idx.add.f32.msk $0xffff, v13;
	v26 =	vadd.s32 v26, v16  }
0xf0: {  	v39 =	vmul.f32 $1.400000000e+01, v33;
	v41 =	vld [tilespmem:s21+$0x1A0];
	v29 =	vtrunc.f32 v29;
	v30 =	vadd.s32 v30, v18  }
0xf1: {  	v28 =	vtrunc.f32 v53;
	v44 =	vadd.f32 $1.000010010e+00, v37;
	[tilespmem:v27+s14+$0x0] =	vst.idx.add.f32.msk $0xffff, v4;
	v40 =	vcvt.f32.s32 v29  }
0xf2: {  	v43 =	vcvt.f32.s32 v28;
	v32 =	vadd.f32 $1.000010010e+00, v32;
	v27 =	vtrunc.f32 v39;
	[tilespmem:v25+s14+$0x0] =	vst.idx.add.f32.msk $0xffff, v13  }
0xf3: {  	v42 =	vcvt.f32.s32 v27;
	v28 =	vmul.f32 $1.400000000e+01, v44;
	v14 =	vadd.s32 v40, v19;
	v46 =	vld [tilespmem:s21+$0x20]  }
0xf4: {  	v35 =	vadd.f32 $1.000010010e+00, v35;
	v24 =	vmul.f32 $1.400000000e+01, v24;
	v45 =	vmul.f32 $1.400000000e+01, v32;
	[tilespmem:v26+s14+$0x0] =	vst.idx.add.f32.msk $0xffff, v13  }
0xf5: {  	v31 =	vadd.f32 $1.000010010e+00, v52;
	v28 =	vtrunc.f32 v28;
	v25 =	vadd.s32 v42, v21;
	[tilespmem:v30+s14+$0x0] =	vst.idx.add.f32.msk $0xffff, v13  }
0xf6: {  	v29 =	vadd.f32 $1.000010010e+00, v41;
	v28 =	vcvt.f32.s32 v28;
	v30 =	vtrunc.f32 v45;
	v52 =	vld [tilespmem:s21+$0x120]  }
0xf7: {  	v23 =	vtrunc.f32 v23;
	v27 =	vadd.s32 v43, v11;
	v47 =	vld [tilespmem:s21+$0xFFFFFFA0];
	v30 =	vcvt.f32.s32 v30  }
0xf8: {  	v23 =	vcvt.f32.s32 v23;
	v29 =	vmul.f32 $1.400000000e+01, v29;
	v28 =	vadd.s32 v28, v20;
	[tilespmem:v14+s14+$0x0] =	vst.idx.add.f32.msk $0xffff, v13  }
0xf9: {  	v35 =	vmul.f32 $1.400000000e+01, v35;
	v24 =	vtrunc.f32 v24;
	v50 =	vld [tilespmem:s21+$0xFFFFFE20];
	v30 =	vadd.s32 v30, v22  }
0xfa: {  	v24 =	vcvt.f32.s32 v24;
	v29 =	vtrunc.f32 v29;
	[tilespmem:v25+s14+$0x0] =	vst.idx.add.f32.msk $0xffff, v13;
	v32 =	vadd.f32 $1.000010010e+00, v46  }
0xfb: {  	v35 =	vtrunc.f32 v35;
	v49 =	vadd.f32 $1.000010010e+00, v34;
	v54 =	vcvt.f32.s32 v29;
	v53 =	vld [tilespmem:s21+$0xFFFFFF20]  }
0xfc: {  	v34 =	vcvt.f32.s32 v35;
	[tilespmem:v27+s14+$0x0] =	vst.idx.add.f32.msk $0xffff, v4;
	v33 =	vadd.f32 $1.000010010e+00, v47;
	v32 =	vmul.f32 $1.400000000e+01, v32  }
0xfd: {  	v48 =	vmul.f32 $1.400000000e+01, v31;
	v27 =	vadd.s32 v54, v15;
	v58 =	vadd.f32 $1.000010010e+00, v52;
	[tilespmem:v28+s14+$0x0] =	vst.idx.add.f32.msk $0xffff, v13  }
0xfe: {  	v55 =	vmul.f32 $1.400000000e+01, v33;
	v32 =	vtrunc.f32 v32;
	[tilespmem:v30+s14+$0x0] =	vst.idx.add.f32.msk $0xffff, v13  }
0xff: {  	v51 =	vadd.f32 $1.000010010e+00, v63;
	v33 =	vmul.f32 $1.400000000e+01, v58;
	v56 =	vcvt.f32.s32 v32;
	v57 =	vld [tilespmem:s21+$0xA0]  }
0x100: {  	v63 =	vld [tilespmem:s21+$0xFFFFFEA0];
	v31 =	vadd.f32 $1.000010010e+00, v50;
	v62 =	vadd.f32 $1.000010010e+00, v53;
	v29 =	vtrunc.f32 v55  }
0x101: {  	v42 =	vtrunc.f32 v33;
	v60 =	vcvt.f32.s32 v29;
	v61 =	vadd.s32 v56, v17  }
0x102: {  	v5 =	vadd.s32 v23, v5;
	v59 =	vmul.f32 $1.400000000e+01, v31;
	[tilespmem:v27+s14+$0x0] =	vst.idx.add.f32.msk $0xffff, v4;
	v27 =	vcvt.f32.s32 v42  }
0x103: {  	v41 =	vld [tilespmem:s20+$0xFFFFFEB0];
	v26 =	vtrunc.f32 v48;
	v30 =	vmul.f32 $1.400000000e+01, v62;
	v28 =	vadd.s32 v60, v18  }
0x104: {  	v40 =	vld [tilespmem:s20+$0xB0];
	v13 =	vtrunc.f32 v59;
	v27 =	vadd.s32 v27, v16;
	v32 =	vadd.f32 $1.000010010e+00, v57  }
0x105: {  	v14 =	vmul.f32 $1.400000000e+01, v49;
	v43 =	vld [tilespmem:s21+$0x1B0];
	v44 =	vadd.f32 $1.000010010e+00, v63;
	v13 =	vcvt.f32.s32 v13  }
0x106: {  	v7 =	vadd.s32 v24, v7;
	v30 =	vtrunc.f32 v30;
	[tilespmem:v61+s14+$0x0] =	vst.idx.add.f32.msk $0xffff, v4;
	v45 =	vmul.f32 $1.400000000e+01, v32  }
0x107: {  	v48 =	vmul.f32 $1.400000000e+01, v44;
	v30 =	vcvt.f32.s32 v30;
	v13 =	vadd.s32 v13, v19;
	v47 =	vld [tilespmem:s21+$0x30]  }
0x108: {  	v6 =	vadd.s32 v34, v6;
	v25 =	vmul.f32 $1.400000000e+01, v51;
	[tilespmem:v28+s14+$0x0] =	vst.idx.add.f32.msk $0xffff, v4;
	v50 =	vtrunc.f32 v45  }
0x109: {  	v49 =	vadd.s32 v30, v21;
	v28 =	vtrunc.f32 v48;
	[tilespmem:v27+s14+$0x0] =	vst.idx.add.f32.msk $0xffff, v4;
	v30 =	vcvt.f32.s32 v50  }
0x10a: {  	v14 =	vtrunc.f32 v14;
	v46 =	vadd.f32 $1.000010010e+00, v40;
	v51 =	vld [tilespmem:s21+$0xFFFFFFB0];
	v28 =	vcvt.f32.s32 v28  }
0x10b: {  	v14 =	vcvt.f32.s32 v14;
	v53 =	vadd.f32 $1.000010010e+00, v41;
	v63 =	vld [tilespmem:s21+$0x130];
	v30 =	vadd.s32 v30, v22  }
0x10c: {  	v26 =	vcvt.f32.s32 v26;
	v52 =	vmul.f32 $1.400000000e+01, v46;
	[tilespmem:v13+s14+$0x0] =	vst.idx.add.f32.msk $0xffff, v4;
	v57 =	vadd.s32 v28, v20  }
0x10d: {  	v25 =	vtrunc.f32 v25;
	v38 =	vadd.s32 v14, v10;
	v13 =	vmul.f32 $1.400000000e+01, v53;
	v54 =	vld [tilespmem:s21+$0xFFFFFE30]  }
0x10e: {  	v55 =	vcvt.f32.s32 v25;
	v24 =	vtrunc.f32 v52;
	v33 =	vadd.f32 $1.000010010e+00, v43;
	[tilespmem:v49+s14+$0x0] =	vst.idx.add.f32.msk $0xffff, v4  }
0x10f: {  	v56 =	vadd.s32 v26, v12;
	v60 =	vld [tilespmem:s21+$0xFFFFFF30];
	v13 =	vtrunc.f32 v13;
	v61 =	vadd.f32 $1.000010010e+00, v47  }
0x110: {  	v58 =	vadd.s32 v55, v9;
	v40 =	vmul.f32 $1.400000000e+01, v33;
	v13 =	vcvt.f32.s32 v13;
	[tilespmem:v30+s14+$0x0] =	vst.idx.add.f32.msk $0xffff, v4  }
0x111: {  	v59 =	vcvt.f32.s32 v24;
	v62 =	vadd.f32 $1.000010010e+00, v51;
	v35 =	vmul.f32 $1.400000000e+01, v61;
	[tilespmem:v57+s14+$0x0] =	vst.idx.add.f32.msk $0xffff, v4  }
0x112: {  	v44 =	vadd.f32 $1.000010010e+00, v63;
	v39 =	vadd.s32 v13, v8;
	v13 =	vtrunc.f32 v40;
	v37 =	vld [tilespmem:s21+$0xB0]  }
0x113: {  	v34 =	vadd.s32 v59, v11;
	v36 =	vmul.f32 $1.400000000e+01, v62;
	v41 =	vtrunc.f32 v35;
	v25 =	vld [tilespmem:s21+$0xFFFFFEB0]  }
0x114: {  	v43 =	vadd.f32 $1.000010010e+00, v54;
	v45 =	vcvt.f32.s32 v13;
	v49 =	vmul.f32 $1.400000000e+01, v44  }
0x115: {  	[tilespmem:v5+s14+$0x0] =	vst.idx.add.f32.msk $0xffff, v3;
	v4 =	vcvt.f32.s32 v41;
	v47 =	vadd.f32 $1.000010010e+00, v60;
	v42 =	vtrunc.f32 v36  }
0x116: {  	[tilespmem:v7+s14+$0x0] =	vst.idx.add.f32.msk $0xffff, v3;
	v46 =	vmul.f32 $1.400000000e+01, v43;
	v52 =	vtrunc.f32 v49;
	v7 =	vadd.s32 v45, v15  }
0x117: {  	[tilespmem:v6+s14+$0x0] =	vst.idx.add.f32.msk $0xffff, v3;
	v48 =	vcvt.f32.s32 v42;
	v51 =	vmul.f32 $1.400000000e+01, v47;
	v50 =	vadd.f32 $1.000010010e+00, v37  }
0x118: {  	[tilespmem:v38+s14+$0x0] =	vst.idx.add.f32.msk $0xffff, v3;
	v9 =	vcvt.f32.s32 v52;
	v13 =	vtrunc.f32 v46;
	v54 =	vadd.f32 $1.000010010e+00, v25  }
0x119: {  	[tilespmem:v56+s14+$0x0] =	vst.idx.add.f32.msk $0xffff, v3;
	v4 =	vadd.s32 v4, v17;
	v55 =	vcvt.f32.s32 v13;
	v53 =	vmul.f32 $1.400000000e+01, v50  }
0x11a: {  	[tilespmem:v58+s14+$0x0] =	vst.idx.add.f32.msk $0xffff, v3;
	v6 =	vadd.s32 v48, v18;
	v5 =	vtrunc.f32 v51;
	v57 =	vmul.f32 $1.400000000e+01, v54  }
0x11b: {  	[tilespmem:v34+s14+$0x0] =	vst.idx.add.f32.msk $0xffff, v3;
	v9 =	vadd.s32 v9, v16;
	v5 =	vcvt.f32.s32 v5;
	v56 =	vtrunc.f32 v53  }
0x11c: {  	[tilespmem:v39+s14+$0x0] =	vst.idx.add.f32.msk $0xffff, v3;
	v59 =	vadd.s32 v55, v19;
	v60 =	vtrunc.f32 v57;
	v58 =	vcvt.f32.s32 v56  }
0x11d: {  	[tilespmem:v7+s14+$0x0] =	vst.idx.add.f32.msk $0xffff, v3;
	v5 =	vadd.s32 v5, v21;
	v62 =	vcvt.f32.s32 v60  }
0x11e: {  	s19 =	sadd.s32 $0x1, s19;
	[tilespmem:v4+s14+$0x0] =	vst.idx.add.f32.msk $0xffff, v3;
	v61 =	vadd.s32 v58, v22  }
0x11f: {  	p1 =	sne.s32 s19, $0x20;
	[tilespmem:v6+s14+$0x0] =	vst.idx.add.f32.msk $0xffff, v3;
	v63 =	vadd.s32 v62, v20  }
.Ltmp4:
0x120: {  	[tilespmem:v9+s14+$0x0] =	vst.idx.add.f32.msk $0xffff, v3;
	(pc) =	sbr.rel @p1 .LBB2_8-.Ltmp4, $4  }
0x121: {  	[tilespmem:v59+s14+$0x0] =	vst.idx.add.f32.msk $0xffff, v3  }
0x122: {  	[tilespmem:v5+s14+$0x0] =	vst.idx.add.f32.msk $0xffff, v3  }
0x123: {  	[tilespmem:v61+s14+$0x0] =	vst.idx.add.f32.msk $0xffff, v3  }
0x124: {  	s18 =	sadd.s32 $0x200, s18;
	p0 =	por !p0, !p0;
	[tilespmem:v63+s14+$0x0] =	vst.idx.add.f32.msk $0xffff, v3  }
0x125: {  	s18 =	simm.s32 $0x0;
	s19 =	simm.s32 $0x11142  }
.LBB2_12:
0x126: {  	v9 =	vld [tilespmem:s19+$0xFFFFFFBE]  }
0x127: {  	[tilespmem:s19+$0xFFFFFFBE] =	vst v0;
	v3 =	vld [tilespmem:s19+$0xFFFFFFDF]  }
0x128: {  	v10 =	vld [tilespmem:s19+$0xFFFFFFCE];
	[tilespmem:s19+$0xFFFFFFDF] =	vst v0  }
0x129: {  	[tilespmem:s19+$0xFFFFFFCE] =	vst v0;
	v6 =	vld [tilespmem:s19+$0xFFFFFFEF]  }
0x12a: {  	[tilespmem:s19+$0xFFFFFFEF] =	vst v0;
	v4 =	vld [tilespmem:s19+$0x0]  }
0x12b: {  	[tilespmem:s19+$0x0] =	vst v0;
	v5 =	vld [tilespmem:s19+$0x21]  }
0x12c: {  	v7 =	vld [tilespmem:s19+$0x10];
	[tilespmem:s19+$0x21] =	vst v0;
	v11 =	vimm.f32 $0.0e+00  }
0x12d: {  	[tilespmem:s19+$0x10] =	vst v0;
	v9 =	vadd.f32 v9, v11;
	v10 =	vadd.f32 v10, v11  }
0x12e: {  	v8 =	vld [tilespmem:s19+$0x31];
	s20 =	simm.s32 $0x0;
	[tilespmem:s19+$0x31] =	vst v0;
	s21 =	sadd.s32 $0x84, s19  }
.LBB2_13:
0x12f: {  	v11 =	vld [tilespmem:s21+$0xFFFFFFBE];
	[tilespmem:s21+$0xFFFFFFBE] =	vst v0;
	v9 =	vadd.f32 v3, v9;
	v6 =	vadd.f32 v6, v10  }
0x130: {  	s20 =	sadd.s32 $0x4, s20;
	v10 =	vld [tilespmem:s21+$0xFFFFFFCE];
	[tilespmem:s21+$0xFFFFFFCE] =	vst v0  }
0x131: {  	p0 =	slt.u32 s20, $0xC;
	v3 =	vld [tilespmem:s21+$0xFFFFFFDF];
	[tilespmem:s21+$0xFFFFFFDF] =	vst v0;
	v9 =	vadd.f32 v4, v9;
	v7 =	vadd.f32 v7, v6  }
.Ltmp5:
0x132: {  	v6 =	vld [tilespmem:s21+$0xFFFFFFEF];
	[tilespmem:s21+$0xFFFFFFEF] =	vst v0;
	(pc) =	sbr.rel @p0 .LBB2_13-.Ltmp5, $4  }
0x133: {  	v4 =	vld [tilespmem:s21+$0x0];
	[tilespmem:s21+$0x0] =	vst v0;
	v5 =	vadd.f32 v5, v9;
	v8 =	vadd.f32 v8, v7  }
0x134: {  	v7 =	vld [tilespmem:s21+$0x10];
	[tilespmem:s21+$0x10] =	vst v0  }
0x135: {  	v9 =	vadd.f32 v11, v5;
	v10 =	vadd.f32 v10, v8;
	v5 =	vld [tilespmem:s21+$0x21];
	[tilespmem:s21+$0x21] =	vst v0  }
0x136: {  	v8 =	vld [tilespmem:s21+$0x31];
	[tilespmem:s21+$0x31] =	vst v0;
	s21 =	sadd.s32 $0x84, s21  }
0x137: {  	s20 =	sand.u32 $0xF, s18  }
0x138: {  	v11 =	vmov s20;
	_ =	sdelay $0x3  }
0x139: {  	v3 =	vadd.f32 v3, v9  }
0x13a: {  	v6 =	vadd.f32 v6, v10;
	v62 =	vld.idx.msk [tilespmem:v11+s15+$0x0], $0xffff  }
0x13b: {  	v3 =	vadd.f32 v4, v3  }
0x13c: {  	s31 =	sshll.u32 s18, $0x7;
	s18 =	sadd.s32 $0x1, s18;
	v63 =	vadd.f32 v7, v6  }
0x13d: {  	p0 =	sne.s32 s18, $0x20;
	v3 =	vadd.f32 v5, v3  }
.Ltmp6:
0x13e: {  	v4 =	vadd.f32 v8, v63;
	(pc) =	sbr.rel @p0 .LBB2_12-.Ltmp6, $4  }
0x13f: {  	v3 =	vmul.f32 v62, v3  }
0x140: {  	s20 =	sand.u32 $0x3FFFFF80, s31;
	v4 =	vmul.f32 v62, v4  }
0x141: {  	[tilespmem:s20+$0x15580] =	vst v3  }
0x142: {  	s19 =	sadd.s32 $0x221, s19;
	[tilespmem:s20+$0x15590] =	vst v4  }
0x143: {  	s17 =	sadd.s32 $0x1, s17  }
0x144: {  	p0 =	sne.s32 s17, s8  }
.Ltmp7:
0x145: {  	_ = 	snop;
	(pc) =	sbr.rel @p0 .LBB2_1-.Ltmp7, $4  }
0x146: {  	[hbm4b:s7+s2] =	stream.linear.scatter [tilespmem:s16], [sflag:$0x2], $0x1000, $0x38;
	[tilespmem:$0x16580] =	vst v63  }
0x147: {  	_ =	swait.ge [sflag:s12], $0x1000  }
0x148: {  	[sflag:s12] =	ssyncset.done $0x0  }
0x149: {  	[sflag:s12] =	ssyncadd.s32 $0xFFFFF000  }
0x14a: {  	_ =	sfence.sel $0x180000  }
0x14b: {  	[bflag:$0x0] =	sbarrier.arrive $0xFFFF  }
0x14c: {  	p0 =	sne.s32 s0, $0x0;
	_ =	strace $0x90000047  }
0x14d: {  	s0 =	sadd.s32 @!p0 $0x100000, s1;
	[bflag:$0x2] =	sbarrier.arrive $0xFFFF  }
0x14e: {  	[sflag:s0] =	ssyncadd.tile.s32 @!p0 $0x1;
	_ =	shalt  }
.Lfunc_end2:
_tile_overlayer_lowered:
.L_overlay_start_2:
0x14f: {  	(tag) =	ssettag $0x2  }
0x150: {  	s0 =	rddreg [dreg:$0x0];
	s2 =	stileid.u32  }
0x151: {  	s1 =	rddreg [dreg:$0x1];
	p0 =	sne.s32 s2, $0x0  }
0x152: {  	s3 =	rddreg [dreg:$0x2];
	[bflag:$0x3] =	sbarrier.arrive $0xFFFF;
	s2 =	simm.s32 @!p0 $0x1C02  }
0x153: {  	[timem:s3], [sflag:s2] =	dma.local @!p0 [hbm:s0], s1  }
0x154: {  	s0 =	simm.s32 @!p0 $0x2  }
0x155: {  	_ =	swait.ge @!p0 [sflag:s0], s1  }
0x156: {  	s1 =	ssub.s32 @!p0 $0x0, s1;
	[sflag:s0] =	ssyncset.done @!p0 $0x0  }
0x157: {  	[sflag:s0] =	ssyncadd.s32 @!p0 s1  }
0x158: {  	[bflag:$0x3] =	sbarrier.arrive $0xFFFF  }
0x159: {  	_ =	shalt  }

</sc_bundles>
